<compile_context>
chip_gen: v7x
topology: tpu7x:2x2x1
jax: 0.10.2.dev20260603
libtpu: 0.0.44.dev20260713+nightly
codegen_flags: <defaults>
</compile_context>

<pallas_src>
import functools

import jax
import jax.numpy as jnp
from jax import lax
from jax.experimental import pallas as pl
from jax.experimental.pallas import tpu as pltpu
from jax.experimental.pallas import tpu_sc as plsc

_B = 16384
_D = 128
_C = 1000
_CP = 1024
_MOM = 0.99
_EPS = 1e-12

_NC = 2
_NS = 16
_NW = _NC * _NS
_BPW = _B // _NW
_RPT = _CP // _NS


def _norm_body(x_ref, o_ref):
    x = x_ref[...]
    n = jnp.sqrt(jnp.sum(x * x, axis=1, keepdims=True))
    o_ref[...] = x / jnp.maximum(n, _EPS)


_norm_feats = pl.pallas_call(
    _norm_body,
    grid=(16,),
    in_specs=[pl.BlockSpec((_B // 16, _D), lambda i: (i, 0))],
    out_specs=pl.BlockSpec((_B // 16, _D), lambda i: (i, 0)),
    out_shape=jax.ShapeDtypeStruct((_B, _D), jnp.float32),
)


_sc_mesh = plsc.VectorSubcoreMesh(core_axis_name="c", subcore_axis_name="s")


@functools.partial(
    pl.kernel,
    mesh=_sc_mesh,
    out_type=[
        jax.ShapeDtypeStruct((_NC * _CP, _D), jnp.float32),
        jax.ShapeDtypeStruct((_NC * _CP, 16), jnp.float32),
    ],
    scratch_types=[
        pltpu.VMEM((_BPW // 128, 128), jnp.int32),
        pltpu.VMEM((_BPW, _D), jnp.float32),
        pltpu.VMEM((128, 16), jnp.float32),
        pltpu.VMEM_SHARED((_CP, _D), jnp.float32),
        pltpu.VMEM_SHARED((_CP, 16), jnp.float32),
    ],
)
def _segsum(feats_hbm, labels_hbm, z128_hbm, z16_hbm, ones_hbm,
            sums_hbm, cnts_hbm, lbl_v, ft_v, ones_v, acc_s, cnt_s):
    c = lax.axis_index("c")
    s = lax.axis_index("s")
    wid = s * _NC + c
    r0 = s * _RPT
    pltpu.sync_copy(z128_hbm, acc_s.at[pl.ds(r0, _RPT)])
    pltpu.sync_copy(z16_hbm, cnt_s.at[pl.ds(r0, _RPT)])
    pltpu.sync_copy(feats_hbm.at[pl.ds(wid * _BPW, _BPW)], ft_v)
    pltpu.sync_copy(labels_hbm.at[pl.ds(wid * (_BPW // 128), _BPW // 128)], lbl_v)
    pltpu.sync_copy(ones_hbm, ones_v)
    plsc.subcore_barrier()
    for j in range(_BPW // 128):
        idx = lbl_v.at[j]
        pltpu.sync_copy(ft_v.at[pl.ds(j * 128, 128)], acc_s.at[idx], add=True)
        pltpu.sync_copy(ones_v, cnt_s.at[idx], add=True)
    plsc.subcore_barrier()
    o0 = c * _CP + r0
    pltpu.sync_copy(acc_s.at[pl.ds(r0, _RPT)], sums_hbm.at[pl.ds(o0, _RPT)])
    pltpu.sync_copy(cnt_s.at[pl.ds(r0, _RPT)], cnts_hbm.at[pl.ds(o0, _RPT)])


def _logits_body(f_ref, sums_ref, cnts_ref, pr_ref, o_ref, p_s, psq_s):
    @pl.when(pl.program_id(0) == 0)
    def _():
        sums = sums_ref[0] + sums_ref[1]
        cnt = cnts_ref[0, :, 0:1] + cnts_ref[1, :, 0:1]
        pr = pr_ref[...]
        p0 = pr / jnp.maximum(jnp.sqrt(jnp.sum(pr * pr, axis=1, keepdims=True)), _EPS)
        mean = sums / jnp.maximum(cnt, 1.0)
        mean_n = mean / jnp.maximum(jnp.sqrt(jnp.sum(mean * mean, axis=1, keepdims=True)), _EPS)
        bl = _MOM * p0 + (1.0 - _MOM) * mean_n
        bl_n = bl / jnp.maximum(jnp.sqrt(jnp.sum(bl * bl, axis=1, keepdims=True)), _EPS)
        new = jnp.where(cnt > 0.0, bl_n, p0)
        p = new / jnp.maximum(jnp.sqrt(jnp.sum(new * new, axis=1, keepdims=True)), _EPS)
        psq_s[...] = lax.dot_general(
            jnp.ones((1, _D), jnp.float32), p * p,
            (((1,), (1,)), ((), ())), preferred_element_type=jnp.float32)
        p_s[...] = p.astype(jnp.bfloat16)

    f = f_ref[...]
    fsq = jnp.sum(f * f, axis=1, keepdims=True)
    d = lax.dot_general(f.astype(jnp.bfloat16), p_s[...],
                        (((1,), (1,)), ((), ())),
                        preferred_element_type=jnp.float32)
    sq = fsq + psq_s[...] - 2.0 * d
    o_ref[...] = -jnp.sqrt(jnp.maximum(sq[:, :_C], 0.0))


_logits = pl.pallas_call(
    _logits_body,
    grid=(16,),
    in_specs=[
        pl.BlockSpec((_B // 16, _D), lambda i: (i, 0)),
        pl.BlockSpec((_NC, _CP, _D), lambda i: (0, 0, 0)),
        pl.BlockSpec((_NC, _CP, 16), lambda i: (0, 0, 0)),
        pl.BlockSpec((_CP, _D), lambda i: (0, 0)),
    ],
    out_specs=pl.BlockSpec((_B // 16, _C), lambda i: (i, 0)),
    out_shape=jax.ShapeDtypeStruct((_B, _C), jnp.float32),
    scratch_shapes=[
        pltpu.VMEM((_CP, _D), jnp.bfloat16),
        pltpu.VMEM((1, _CP), jnp.float32),
    ],
)


def kernel(features, labels, prototypes):
    feats_n = _norm_feats(features)
    labels2d = labels.reshape(_B // 128, 128).astype(jnp.int32)
    z128 = jnp.zeros((_RPT, _D), jnp.float32)
    z16 = jnp.zeros((_RPT, 16), jnp.float32)
    ones = jnp.ones((128, 16), jnp.float32)
    sums, cnts = _segsum(feats_n, labels2d, z128, z16, ones)
    protos_pad = jnp.pad(prototypes, ((0, _CP - _C), (0, 0)))
    return _logits(feats_n, sums.reshape(_NC, _CP, _D),
                   cnts.reshape(_NC, _CP, 16), protos_pad)

# --- scband reference (transcript-rebuilt; emitter-appended) ---
"""Pipeline reference for scband-prototype-memory-11897059410793 (READ-ONLY COPY).

The authoritative reference and input builder live on the scoring server;
editing this copy changes nothing except your own understanding.
"""

import jax, jax.numpy as jnp
import numpy as np

NUM_CLASSES = 1000
FEAT_DIM = 128
BATCH = 16384
MOMENTUM = 0.99
TEMPERATURE = 1.0


def _l2norm(x, eps=1e-12):
    # matches torch F.normalize(p=2, dim=-1): x / max(||x||, eps)
    n = jnp.linalg.norm(x, ord=2, axis=-1, keepdims=True)
    return x / jnp.maximum(n, eps)


def setup_inputs(seed: int = 0) -> dict:
    key = jax.random.key(seed)
    k1, k2, k3 = jax.random.split(key, 3)
    features = jax.random.normal(k1, (BATCH, FEAT_DIM), dtype=jnp.float32)
    labels = jax.random.randint(k2, (BATCH,), 0, NUM_CLASSES, dtype=jnp.int32)
    prototypes = jax.random.normal(k3, (NUM_CLASSES, FEAT_DIM), dtype=jnp.float32)
    return {"features": features, "labels": labels, "prototypes": prototypes}


def reference(features, labels, prototypes):
    # initialize(prototypes): normalize and store
    protos0 = _l2norm(prototypes)

    # update(features, labels, epoch=None): momentum = 0.99, all classes initialized
    feats_n = _l2norm(features)
    ones = jnp.ones((features.shape[0],), dtype=jnp.float32)
    counts = jax.ops.segment_sum(ones, labels, num_segments=NUM_CLASSES)
    sums = jax.ops.segment_sum(feats_n, labels, num_segments=NUM_CLASSES)
    class_mean = sums / jnp.maximum(counts, 1.0)[:, None]
    class_mean_n = _l2norm(class_mean)
    blended = _l2norm(MOMENTUM * protos0 + (1.0 - MOMENTUM) * class_mean_n)
    # classes with zero samples keep their old prototype
    new_protos = jnp.where((counts > 0)[:, None], blended, protos0)

    # compute_logits(features) using updated prototypes
    f = _l2norm(features)
    p = _l2norm(new_protos)
    sq = (jnp.sum(f * f, axis=1)[:, None]
          + jnp.sum(p * p, axis=1)[None, :]
          - 2.0 * (f @ p.T))
    dist = jnp.sqrt(jnp.maximum(sq, 0.0))
    logits = -dist / TEMPERATURE
    return logits

if __name__ == "__main__":
    import jax
    _d = setup_inputs()
    print(jax.jit(kernel)(*tuple(_d.values())))

</pallas_src>

<mosaic_0001>
#map = affine_map<(d0, d1) -> (0, 0)>
module attributes {stable_mosaic.version = 14 : i64} {
  func.func @_segsum(%arg0: i32, %arg1: i32, %arg2: memref<16384x128xf32, #tpu.memory_space<hbm>>, %arg3: memref<128x128xi32, #tpu.memory_space<hbm>>, %arg4: memref<64x128xf32, #tpu.memory_space<hbm>>, %arg5: memref<64x16xf32, #tpu.memory_space<hbm>>, %arg6: memref<128x16xf32, #tpu.memory_space<hbm>>, %arg7: memref<2048x128xf32, #tpu.memory_space<hbm>>, %arg8: memref<2048x16xf32, #tpu.memory_space<hbm>>, %arg9: memref<4x128xi32, #tpu.memory_space<vmem>>, %arg10: memref<512x128xf32, #tpu.memory_space<vmem>>, %arg11: memref<128x16xf32, #tpu.memory_space<vmem>>, %arg12: memref<1024x128xf32, #tpu.memory_space<vmem_shared>>, %arg13: memref<1024x16xf32, #tpu.memory_space<vmem_shared>>) attributes {dimension_semantics = [#tpu.dimension_semantics<core_parallel>, #tpu.dimension_semantics<subcore_parallel>], iteration_bounds = array<i64: 2, 16>, scalar_prefetch = 0 : i64, scratch_operands = 5 : i64, tpu.core_type = #tpu.core_type<sc_vector_subcore>, window_params = [{transform_indices = #map}, {transform_indices = #map}, {transform_indices = #map}, {transform_indices = #map}, {transform_indices = #map}, {transform_indices = #map}, {transform_indices = #map}]} {
    %mul3A = arith.constant 2 : i32
    %mul3A_0 = arith.muli %arg1, %mul3A : i32
    %add3A = arith.addi %mul3A_0, %arg0 : i32
    %mul3A_1 = arith.constant 64 : i32
    %mul3A_2 = arith.muli %arg1, %mul3A_1 : i32
    "tpu.region"() ({
      %run_scoped3A_18 = tpu.sem_alloc : memref<!tpu.dma_semaphore, #tpu.memory_space<semaphore_mem>>
      %dma_start3A = arith.constant 0 : i32
      %dma_start3A_19 = tpu.memref_slice %arg12[%mul3A_2, %dma_start3A] : memref<1024x128xf32, #tpu.memory_space<vmem_shared>> -> memref<64x128xf32, #tpu.memory_space<vmem_shared>>
      tpu.enqueue_dma source(%arg4 : memref<64x128xf32, #tpu.memory_space<hbm>>) target(%dma_start3A_19 : memref<64x128xf32, #tpu.memory_space<vmem_shared>>) target_semaphore(%run_scoped3A_18 : memref<!tpu.dma_semaphore, #tpu.memory_space<semaphore_mem>>)
      %dma_wait3A = arith.constant 0 : i32
      %dma_wait3A_20 = tpu.memref_slice %arg12[%mul3A_2, %dma_wait3A] : memref<1024x128xf32, #tpu.memory_space<vmem_shared>> -> memref<64x128xf32, #tpu.memory_space<vmem_shared>>
      tpu.wait_dma2 semaphore(%run_scoped3A_18 : memref<!tpu.dma_semaphore, #tpu.memory_space<semaphore_mem>>) src(%arg4 : memref<64x128xf32, #tpu.memory_space<hbm>>) dst(%dma_wait3A_20 : memref<64x128xf32, #tpu.memory_space<vmem_shared>>)
      tpu.yield
    }) : () -> ()
    "tpu.region"() ({
      %run_scoped3A_18 = tpu.sem_alloc : memref<!tpu.dma_semaphore, #tpu.memory_space<semaphore_mem>>
      %dma_start3A = arith.constant 0 : i32
      %dma_start3A_19 = tpu.memref_slice %arg13[%mul3A_2, %dma_start3A] : memref<1024x16xf32, #tpu.memory_space<vmem_shared>> -> memref<64x16xf32, #tpu.memory_space<vmem_shared>>
      tpu.enqueue_dma source(%arg5 : memref<64x16xf32, #tpu.memory_space<hbm>>) target(%dma_start3A_19 : memref<64x16xf32, #tpu.memory_space<vmem_shared>>) target_semaphore(%run_scoped3A_18 : memref<!tpu.dma_semaphore, #tpu.memory_space<semaphore_mem>>)
      %dma_wait3A = arith.constant 0 : i32
      %dma_wait3A_20 = tpu.memref_slice %arg13[%mul3A_2, %dma_wait3A] : memref<1024x16xf32, #tpu.memory_space<vmem_shared>> -> memref<64x16xf32, #tpu.memory_space<vmem_shared>>
      tpu.wait_dma2 semaphore(%run_scoped3A_18 : memref<!tpu.dma_semaphore, #tpu.memory_space<semaphore_mem>>) src(%arg5 : memref<64x16xf32, #tpu.memory_space<hbm>>) dst(%dma_wait3A_20 : memref<64x16xf32, #tpu.memory_space<vmem_shared>>)
      tpu.yield
    }) : () -> ()
    %mul3A_3 = arith.constant 512 : i32
    %mul3A_4 = arith.muli %add3A, %mul3A_3 : i32
    "tpu.region"() ({
      %run_scoped3A_18 = tpu.sem_alloc : memref<!tpu.dma_semaphore, #tpu.memory_space<semaphore_mem>>
      %dma_start3A = arith.constant 0 : i32
      %dma_start3A_19 = tpu.memref_slice %arg2[%mul3A_4, %dma_start3A] : memref<16384x128xf32, #tpu.memory_space<hbm>> -> memref<512x128xf32, #tpu.memory_space<hbm>>
      %dma_start3A_20 = arith.constant 0 : i32
      %dma_start3A_21 = tpu.memref_slice %arg2[%mul3A_4, %dma_start3A_20] : memref<16384x128xf32, #tpu.memory_space<hbm>> -> memref<512x128xf32, #tpu.memory_space<hbm>>
      tpu.enqueue_dma source(%dma_start3A_21 : memref<512x128xf32, #tpu.memory_space<hbm>>) target(%arg10 : memref<512x128xf32, #tpu.memory_space<vmem>>) target_semaphore(%run_scoped3A_18 : memref<!tpu.dma_semaphore, #tpu.memory_space<semaphore_mem>>)
      %dma_wait3A = arith.constant 0 : i32
      %dma_wait3A_22 = tpu.memref_slice %arg2[%mul3A_4, %dma_wait3A] : memref<16384x128xf32, #tpu.memory_space<hbm>> -> memref<512x128xf32, #tpu.memory_space<hbm>>
      %dma_wait3A_23 = arith.constant 0 : i32
      %dma_wait3A_24 = tpu.memref_slice %arg2[%mul3A_4, %dma_wait3A_23] : memref<16384x128xf32, #tpu.memory_space<hbm>> -> memref<512x128xf32, #tpu.memory_space<hbm>>
      tpu.wait_dma2 semaphore(%run_scoped3A_18 : memref<!tpu.dma_semaphore, #tpu.memory_space<semaphore_mem>>) src(%dma_wait3A_24 : memref<512x128xf32, #tpu.memory_space<hbm>>) dst(%arg10 : memref<512x128xf32, #tpu.memory_space<vmem>>)
      tpu.yield
    }) : () -> ()
    %mul3A_5 = arith.constant 4 : i32
    %mul3A_6 = arith.muli %add3A, %mul3A_5 : i32
    "tpu.region"() ({
      %run_scoped3A_18 = tpu.sem_alloc : memref<!tpu.dma_semaphore, #tpu.memory_space<semaphore_mem>>
      %dma_start3A = arith.constant 0 : i32
      %dma_start3A_19 = tpu.memref_slice %arg3[%mul3A_6, %dma_start3A] : memref<128x128xi32, #tpu.memory_space<hbm>> -> memref<4x128xi32, #tpu.memory_space<hbm>>
      %dma_start3A_20 = arith.constant 0 : i32
      %dma_start3A_21 = tpu.memref_slice %arg3[%mul3A_6, %dma_start3A_20] : memref<128x128xi32, #tpu.memory_space<hbm>> -> memref<4x128xi32, #tpu.memory_space<hbm>>
      tpu.enqueue_dma source(%dma_start3A_21 : memref<4x128xi32, #tpu.memory_space<hbm>>) target(%arg9 : memref<4x128xi32, #tpu.memory_space<vmem>>) target_semaphore(%run_scoped3A_18 : memref<!tpu.dma_semaphore, #tpu.memory_space<semaphore_mem>>)
      %dma_wait3A = arith.constant 0 : i32
      %dma_wait3A_22 = tpu.memref_slice %arg3[%mul3A_6, %dma_wait3A] : memref<128x128xi32, #tpu.memory_space<hbm>> -> memref<4x128xi32, #tpu.memory_space<hbm>>
      %dma_wait3A_23 = arith.constant 0 : i32
      %dma_wait3A_24 = tpu.memref_slice %arg3[%mul3A_6, %dma_wait3A_23] : memref<128x128xi32, #tpu.memory_space<hbm>> -> memref<4x128xi32, #tpu.memory_space<hbm>>
      tpu.wait_dma2 semaphore(%run_scoped3A_18 : memref<!tpu.dma_semaphore, #tpu.memory_space<semaphore_mem>>) src(%dma_wait3A_24 : memref<4x128xi32, #tpu.memory_space<hbm>>) dst(%arg9 : memref<4x128xi32, #tpu.memory_space<vmem>>)
      tpu.yield
    }) : () -> ()
    "tpu.region"() ({
      %run_scoped3A_18 = tpu.sem_alloc : memref<!tpu.dma_semaphore, #tpu.memory_space<semaphore_mem>>
      tpu.enqueue_dma source(%arg6 : memref<128x16xf32, #tpu.memory_space<hbm>>) target(%arg11 : memref<128x16xf32, #tpu.memory_space<vmem>>) target_semaphore(%run_scoped3A_18 : memref<!tpu.dma_semaphore, #tpu.memory_space<semaphore_mem>>)
      tpu.wait_dma2 semaphore(%run_scoped3A_18 : memref<!tpu.dma_semaphore, #tpu.memory_space<semaphore_mem>>) src(%arg6 : memref<128x16xf32, #tpu.memory_space<hbm>>) dst(%arg11 : memref<128x16xf32, #tpu.memory_space<vmem>>)
      tpu.yield
    }) : () -> ()
    %barrier3A = arith.constant 0 : index
    tpu.barrier barrier_id(%barrier3A)
    %run_scoped3A = arith.constant 0 : i32
    "tpu.region"() ({
      %run_scoped3A_18 = tpu.sem_alloc : memref<!tpu.dma_semaphore, #tpu.memory_space<semaphore_mem>>
      %dma_start3A = arith.constant 0 : i32
      %dma_start3A_19 = arith.constant 0 : i32
      %dma_start3A_20 = tpu.memref_slice %arg10[%dma_start3A, %dma_start3A_19] : memref<512x128xf32, #tpu.memory_space<vmem>> -> memref<128x128xf32, #tpu.memory_space<vmem>>
      %dma_start3A_21 = arith.constant 0 : i32
      %dma_start3A_22 = tpu.memref_slice %arg9[%run_scoped3A, %dma_start3A_21] : memref<4x128xi32, #tpu.memory_space<vmem>> -> memref<1x128xi32, #tpu.memory_space<vmem>>
      %dma_start3A_23 = tpu.memref_squeeze %dma_start3A_22 : memref<1x128xi32, #tpu.memory_space<vmem>> -> memref<128xi32, #tpu.memory_space<vmem>>
      %dma_start3A_24 = arith.constant 0 : i32
      %dma_start3A_25 = arith.constant 0 : i32
      %dma_start3A_26 = tpu.memref_slice %arg12[%dma_start3A_24, %dma_start3A_25] : memref<1024x128xf32, #tpu.memory_space<vmem_shared>> -> memref<1024x128xf32, #tpu.memory_space<vmem_shared>>
      tpu.enqueue_indirect_dma source(%dma_start3A_20 : memref<128x128xf32, #tpu.memory_space<vmem>>) target(%dma_start3A_26 : memref<1024x128xf32, #tpu.memory_space<vmem_shared>>) offsets(%dma_start3A_23 : memref<128xi32, #tpu.memory_space<vmem>>) semaphore(%run_scoped3A_18 : memref<!tpu.dma_semaphore, #tpu.memory_space<semaphore_mem>>) {add = true}
      %dma_wait3A = arith.constant 0 : i32
      %dma_wait3A_27 = arith.constant 0 : i32
      %dma_wait3A_28 = tpu.memref_slice %arg10[%dma_wait3A, %dma_wait3A_27] : memref<512x128xf32, #tpu.memory_space<vmem>> -> memref<128x128xf32, #tpu.memory_space<vmem>>
      %dma_wait3A_29 = arith.constant 0 : i32
      %dma_wait3A_30 = tpu.memref_slice %arg9[%run_scoped3A, %dma_wait3A_29] : memref<4x128xi32, #tpu.memory_space<vmem>> -> memref<1x128xi32, #tpu.memory_space<vmem>>
      %dma_wait3A_31 = tpu.memref_squeeze %dma_wait3A_30 : memref<1x128xi32, #tpu.memory_space<vmem>> -> memref<128xi32, #tpu.memory_space<vmem>>
      %dma_wait3A_32 = arith.constant 0 : i32
      %dma_wait3A_33 = arith.constant 0 : i32
      %dma_wait3A_34 = tpu.memref_slice %arg12[%dma_wait3A_32, %dma_wait3A_33] : memref<1024x128xf32, #tpu.memory_space<vmem_shared>> -> memref<1024x128xf32, #tpu.memory_space<vmem_shared>>
      tpu.wait_indirect_dma semaphore(%run_scoped3A_18 : memref<!tpu.dma_semaphore, #tpu.memory_space<semaphore_mem>>) src(%dma_wait3A_28 : memref<128x128xf32, #tpu.memory_space<vmem>>) dst(%dma_wait3A_34 : memref<1024x128xf32, #tpu.memory_space<vmem_shared>>)
      tpu.yield
    }) : () -> ()
    %run_scoped3A_7 = arith.constant 0 : i32
    "tpu.region"() ({
      %run_scoped3A_18 = tpu.sem_alloc : memref<!tpu.dma_semaphore, #tpu.memory_space<semaphore_mem>>
      %dma_start3A = arith.constant 0 : i32
      %dma_start3A_19 = tpu.memref_slice %arg9[%run_scoped3A_7, %dma_start3A] : memref<4x128xi32, #tpu.memory_space<vmem>> -> memref<1x128xi32, #tpu.memory_space<vmem>>
      %dma_start3A_20 = tpu.memref_squeeze %dma_start3A_19 : memref<1x128xi32, #tpu.memory_space<vmem>> -> memref<128xi32, #tpu.memory_space<vmem>>
      %dma_start3A_21 = arith.constant 0 : i32
      %dma_start3A_22 = arith.constant 0 : i32
      %dma_start3A_23 = tpu.memref_slice %arg13[%dma_start3A_21, %dma_start3A_22] : memref<1024x16xf32, #tpu.memory_space<vmem_shared>> -> memref<1024x16xf32, #tpu.memory_space<vmem_shared>>
      tpu.enqueue_indirect_dma source(%arg11 : memref<128x16xf32, #tpu.memory_space<vmem>>) target(%dma_start3A_23 : memref<1024x16xf32, #tpu.memory_space<vmem_shared>>) offsets(%dma_start3A_20 : memref<128xi32, #tpu.memory_space<vmem>>) semaphore(%run_scoped3A_18 : memref<!tpu.dma_semaphore, #tpu.memory_space<semaphore_mem>>) {add = true}
      %dma_wait3A = arith.constant 0 : i32
      %dma_wait3A_24 = tpu.memref_slice %arg9[%run_scoped3A_7, %dma_wait3A] : memref<4x128xi32, #tpu.memory_space<vmem>> -> memref<1x128xi32, #tpu.memory_space<vmem>>
      %dma_wait3A_25 = tpu.memref_squeeze %dma_wait3A_24 : memref<1x128xi32, #tpu.memory_space<vmem>> -> memref<128xi32, #tpu.memory_space<vmem>>
      %dma_wait3A_26 = arith.constant 0 : i32
      %dma_wait3A_27 = arith.constant 0 : i32
      %dma_wait3A_28 = tpu.memref_slice %arg13[%dma_wait3A_26, %dma_wait3A_27] : memref<1024x16xf32, #tpu.memory_space<vmem_shared>> -> memref<1024x16xf32, #tpu.memory_space<vmem_shared>>
      tpu.wait_indirect_dma semaphore(%run_scoped3A_18 : memref<!tpu.dma_semaphore, #tpu.memory_space<semaphore_mem>>) src(%arg11 : memref<128x16xf32, #tpu.memory_space<vmem>>) dst(%dma_wait3A_28 : memref<1024x16xf32, #tpu.memory_space<vmem_shared>>)
      tpu.yield
    }) : () -> ()
    %run_scoped3A_8 = arith.constant 1 : i32
    "tpu.region"() ({
      %run_scoped3A_18 = tpu.sem_alloc : memref<!tpu.dma_semaphore, #tpu.memory_space<semaphore_mem>>
      %dma_start3A = arith.constant 128 : i32
      %dma_start3A_19 = arith.constant 0 : i32
      %dma_start3A_20 = tpu.memref_slice %arg10[%dma_start3A, %dma_start3A_19] : memref<512x128xf32, #tpu.memory_space<vmem>> -> memref<128x128xf32, #tpu.memory_space<vmem>>
      %dma_start3A_21 = arith.constant 0 : i32
      %dma_start3A_22 = tpu.memref_slice %arg9[%run_scoped3A_8, %dma_start3A_21] : memref<4x128xi32, #tpu.memory_space<vmem>> -> memref<1x128xi32, #tpu.memory_space<vmem>>
      %dma_start3A_23 = tpu.memref_squeeze %dma_start3A_22 : memref<1x128xi32, #tpu.memory_space<vmem>> -> memref<128xi32, #tpu.memory_space<vmem>>
      %dma_start3A_24 = arith.constant 0 : i32
      %dma_start3A_25 = arith.constant 0 : i32
      %dma_start3A_26 = tpu.memref_slice %arg12[%dma_start3A_24, %dma_start3A_25] : memref<1024x128xf32, #tpu.memory_space<vmem_shared>> -> memref<1024x128xf32, #tpu.memory_space<vmem_shared>>
      tpu.enqueue_indirect_dma source(%dma_start3A_20 : memref<128x128xf32, #tpu.memory_space<vmem>>) target(%dma_start3A_26 : memref<1024x128xf32, #tpu.memory_space<vmem_shared>>) offsets(%dma_start3A_23 : memref<128xi32, #tpu.memory_space<vmem>>) semaphore(%run_scoped3A_18 : memref<!tpu.dma_semaphore, #tpu.memory_space<semaphore_mem>>) {add = true}
      %dma_wait3A = arith.constant 128 : i32
      %dma_wait3A_27 = arith.constant 0 : i32
      %dma_wait3A_28 = tpu.memref_slice %arg10[%dma_wait3A, %dma_wait3A_27] : memref<512x128xf32, #tpu.memory_space<vmem>> -> memref<128x128xf32, #tpu.memory_space<vmem>>
      %dma_wait3A_29 = arith.constant 0 : i32
      %dma_wait3A_30 = tpu.memref_slice %arg9[%run_scoped3A_8, %dma_wait3A_29] : memref<4x128xi32, #tpu.memory_space<vmem>> -> memref<1x128xi32, #tpu.memory_space<vmem>>
      %dma_wait3A_31 = tpu.memref_squeeze %dma_wait3A_30 : memref<1x128xi32, #tpu.memory_space<vmem>> -> memref<128xi32, #tpu.memory_space<vmem>>
      %dma_wait3A_32 = arith.constant 0 : i32
      %dma_wait3A_33 = arith.constant 0 : i32
      %dma_wait3A_34 = tpu.memref_slice %arg12[%dma_wait3A_32, %dma_wait3A_33] : memref<1024x128xf32, #tpu.memory_space<vmem_shared>> -> memref<1024x128xf32, #tpu.memory_space<vmem_shared>>
      tpu.wait_indirect_dma semaphore(%run_scoped3A_18 : memref<!tpu.dma_semaphore, #tpu.memory_space<semaphore_mem>>) src(%dma_wait3A_28 : memref<128x128xf32, #tpu.memory_space<vmem>>) dst(%dma_wait3A_34 : memref<1024x128xf32, #tpu.memory_space<vmem_shared>>)
      tpu.yield
    }) : () -> ()
    %run_scoped3A_9 = arith.constant 1 : i32
    "tpu.region"() ({
      %run_scoped3A_18 = tpu.sem_alloc : memref<!tpu.dma_semaphore, #tpu.memory_space<semaphore_mem>>
      %dma_start3A = arith.constant 0 : i32
      %dma_start3A_19 = tpu.memref_slice %arg9[%run_scoped3A_9, %dma_start3A] : memref<4x128xi32, #tpu.memory_space<vmem>> -> memref<1x128xi32, #tpu.memory_space<vmem>>
      %dma_start3A_20 = tpu.memref_squeeze %dma_start3A_19 : memref<1x128xi32, #tpu.memory_space<vmem>> -> memref<128xi32, #tpu.memory_space<vmem>>
      %dma_start3A_21 = arith.constant 0 : i32
      %dma_start3A_22 = arith.constant 0 : i32
      %dma_start3A_23 = tpu.memref_slice %arg13[%dma_start3A_21, %dma_start3A_22] : memref<1024x16xf32, #tpu.memory_space<vmem_shared>> -> memref<1024x16xf32, #tpu.memory_space<vmem_shared>>
      tpu.enqueue_indirect_dma source(%arg11 : memref<128x16xf32, #tpu.memory_space<vmem>>) target(%dma_start3A_23 : memref<1024x16xf32, #tpu.memory_space<vmem_shared>>) offsets(%dma_start3A_20 : memref<128xi32, #tpu.memory_space<vmem>>) semaphore(%run_scoped3A_18 : memref<!tpu.dma_semaphore, #tpu.memory_space<semaphore_mem>>) {add = true}
      %dma_wait3A = arith.constant 0 : i32
      %dma_wait3A_24 = tpu.memref_slice %arg9[%run_scoped3A_9, %dma_wait3A] : memref<4x128xi32, #tpu.memory_space<vmem>> -> memref<1x128xi32, #tpu.memory_space<vmem>>
      %dma_wait3A_25 = tpu.memref_squeeze %dma_wait3A_24 : memref<1x128xi32, #tpu.memory_space<vmem>> -> memref<128xi32, #tpu.memory_space<vmem>>
      %dma_wait3A_26 = arith.constant 0 : i32
      %dma_wait3A_27 = arith.constant 0 : i32
      %dma_wait3A_28 = tpu.memref_slice %arg13[%dma_wait3A_26, %dma_wait3A_27] : memref<1024x16xf32, #tpu.memory_space<vmem_shared>> -> memref<1024x16xf32, #tpu.memory_space<vmem_shared>>
      tpu.wait_indirect_dma semaphore(%run_scoped3A_18 : memref<!tpu.dma_semaphore, #tpu.memory_space<semaphore_mem>>) src(%arg11 : memref<128x16xf32, #tpu.memory_space<vmem>>) dst(%dma_wait3A_28 : memref<1024x16xf32, #tpu.memory_space<vmem_shared>>)
      tpu.yield
    }) : () -> ()
    %run_scoped3A_10 = arith.constant 2 : i32
    "tpu.region"() ({
      %run_scoped3A_18 = tpu.sem_alloc : memref<!tpu.dma_semaphore, #tpu.memory_space<semaphore_mem>>
      %dma_start3A = arith.constant 256 : i32
      %dma_start3A_19 = arith.constant 0 : i32
      %dma_start3A_20 = tpu.memref_slice %arg10[%dma_start3A, %dma_start3A_19] : memref<512x128xf32, #tpu.memory_space<vmem>> -> memref<128x128xf32, #tpu.memory_space<vmem>>
      %dma_start3A_21 = arith.constant 0 : i32
      %dma_start3A_22 = tpu.memref_slice %arg9[%run_scoped3A_10, %dma_start3A_21] : memref<4x128xi32, #tpu.memory_space<vmem>> -> memref<1x128xi32, #tpu.memory_space<vmem>>
      %dma_start3A_23 = tpu.memref_squeeze %dma_start3A_22 : memref<1x128xi32, #tpu.memory_space<vmem>> -> memref<128xi32, #tpu.memory_space<vmem>>
      %dma_start3A_24 = arith.constant 0 : i32
      %dma_start3A_25 = arith.constant 0 : i32
      %dma_start3A_26 = tpu.memref_slice %arg12[%dma_start3A_24, %dma_start3A_25] : memref<1024x128xf32, #tpu.memory_space<vmem_shared>> -> memref<1024x128xf32, #tpu.memory_space<vmem_shared>>
      tpu.enqueue_indirect_dma source(%dma_start3A_20 : memref<128x128xf32, #tpu.memory_space<vmem>>) target(%dma_start3A_26 : memref<1024x128xf32, #tpu.memory_space<vmem_shared>>) offsets(%dma_start3A_23 : memref<128xi32, #tpu.memory_space<vmem>>) semaphore(%run_scoped3A_18 : memref<!tpu.dma_semaphore, #tpu.memory_space<semaphore_mem>>) {add = true}
      %dma_wait3A = arith.constant 256 : i32
      %dma_wait3A_27 = arith.constant 0 : i32
      %dma_wait3A_28 = tpu.memref_slice %arg10[%dma_wait3A, %dma_wait3A_27] : memref<512x128xf32, #tpu.memory_space<vmem>> -> memref<128x128xf32, #tpu.memory_space<vmem>>
      %dma_wait3A_29 = arith.constant 0 : i32
      %dma_wait3A_30 = tpu.memref_slice %arg9[%run_scoped3A_10, %dma_wait3A_29] : memref<4x128xi32, #tpu.memory_space<vmem>> -> memref<1x128xi32, #tpu.memory_space<vmem>>
      %dma_wait3A_31 = tpu.memref_squeeze %dma_wait3A_30 : memref<1x128xi32, #tpu.memory_space<vmem>> -> memref<128xi32, #tpu.memory_space<vmem>>
      %dma_wait3A_32 = arith.constant 0 : i32
      %dma_wait3A_33 = arith.constant 0 : i32
      %dma_wait3A_34 = tpu.memref_slice %arg12[%dma_wait3A_32, %dma_wait3A_33] : memref<1024x128xf32, #tpu.memory_space<vmem_shared>> -> memref<1024x128xf32, #tpu.memory_space<vmem_shared>>
      tpu.wait_indirect_dma semaphore(%run_scoped3A_18 : memref<!tpu.dma_semaphore, #tpu.memory_space<semaphore_mem>>) src(%dma_wait3A_28 : memref<128x128xf32, #tpu.memory_space<vmem>>) dst(%dma_wait3A_34 : memref<1024x128xf32, #tpu.memory_space<vmem_shared>>)
      tpu.yield
    }) : () -> ()
    %run_scoped3A_11 = arith.constant 2 : i32
    "tpu.region"() ({
      %run_scoped3A_18 = tpu.sem_alloc : memref<!tpu.dma_semaphore, #tpu.memory_space<semaphore_mem>>
      %dma_start3A = arith.constant 0 : i32
      %dma_start3A_19 = tpu.memref_slice %arg9[%run_scoped3A_11, %dma_start3A] : memref<4x128xi32, #tpu.memory_space<vmem>> -> memref<1x128xi32, #tpu.memory_space<vmem>>
      %dma_start3A_20 = tpu.memref_squeeze %dma_start3A_19 : memref<1x128xi32, #tpu.memory_space<vmem>> -> memref<128xi32, #tpu.memory_space<vmem>>
      %dma_start3A_21 = arith.constant 0 : i32
      %dma_start3A_22 = arith.constant 0 : i32
      %dma_start3A_23 = tpu.memref_slice %arg13[%dma_start3A_21, %dma_start3A_22] : memref<1024x16xf32, #tpu.memory_space<vmem_shared>> -> memref<1024x16xf32, #tpu.memory_space<vmem_shared>>
      tpu.enqueue_indirect_dma source(%arg11 : memref<128x16xf32, #tpu.memory_space<vmem>>) target(%dma_start3A_23 : memref<1024x16xf32, #tpu.memory_space<vmem_shared>>) offsets(%dma_start3A_20 : memref<128xi32, #tpu.memory_space<vmem>>) semaphore(%run_scoped3A_18 : memref<!tpu.dma_semaphore, #tpu.memory_space<semaphore_mem>>) {add = true}
      %dma_wait3A = arith.constant 0 : i32
      %dma_wait3A_24 = tpu.memref_slice %arg9[%run_scoped3A_11, %dma_wait3A] : memref<4x128xi32, #tpu.memory_space<vmem>> -> memref<1x128xi32, #tpu.memory_space<vmem>>
      %dma_wait3A_25 = tpu.memref_squeeze %dma_wait3A_24 : memref<1x128xi32, #tpu.memory_space<vmem>> -> memref<128xi32, #tpu.memory_space<vmem>>
      %dma_wait3A_26 = arith.constant 0 : i32
      %dma_wait3A_27 = arith.constant 0 : i32
      %dma_wait3A_28 = tpu.memref_slice %arg13[%dma_wait3A_26, %dma_wait3A_27] : memref<1024x16xf32, #tpu.memory_space<vmem_shared>> -> memref<1024x16xf32, #tpu.memory_space<vmem_shared>>
      tpu.wait_indirect_dma semaphore(%run_scoped3A_18 : memref<!tpu.dma_semaphore, #tpu.memory_space<semaphore_mem>>) src(%arg11 : memref<128x16xf32, #tpu.memory_space<vmem>>) dst(%dma_wait3A_28 : memref<1024x16xf32, #tpu.memory_space<vmem_shared>>)
      tpu.yield
    }) : () -> ()
    %run_scoped3A_12 = arith.constant 3 : i32
    "tpu.region"() ({
      %run_scoped3A_18 = tpu.sem_alloc : memref<!tpu.dma_semaphore, #tpu.memory_space<semaphore_mem>>
      %dma_start3A = arith.constant 384 : i32
      %dma_start3A_19 = arith.constant 0 : i32
      %dma_start3A_20 = tpu.memref_slice %arg10[%dma_start3A, %dma_start3A_19] : memref<512x128xf32, #tpu.memory_space<vmem>> -> memref<128x128xf32, #tpu.memory_space<vmem>>
      %dma_start3A_21 = arith.constant 0 : i32
      %dma_start3A_22 = tpu.memref_slice %arg9[%run_scoped3A_12, %dma_start3A_21] : memref<4x128xi32, #tpu.memory_space<vmem>> -> memref<1x128xi32, #tpu.memory_space<vmem>>
      %dma_start3A_23 = tpu.memref_squeeze %dma_start3A_22 : memref<1x128xi32, #tpu.memory_space<vmem>> -> memref<128xi32, #tpu.memory_space<vmem>>
      %dma_start3A_24 = arith.constant 0 : i32
      %dma_start3A_25 = arith.constant 0 : i32
      %dma_start3A_26 = tpu.memref_slice %arg12[%dma_start3A_24, %dma_start3A_25] : memref<1024x128xf32, #tpu.memory_space<vmem_shared>> -> memref<1024x128xf32, #tpu.memory_space<vmem_shared>>
      tpu.enqueue_indirect_dma source(%dma_start3A_20 : memref<128x128xf32, #tpu.memory_space<vmem>>) target(%dma_start3A_26 : memref<1024x128xf32, #tpu.memory_space<vmem_shared>>) offsets(%dma_start3A_23 : memref<128xi32, #tpu.memory_space<vmem>>) semaphore(%run_scoped3A_18 : memref<!tpu.dma_semaphore, #tpu.memory_space<semaphore_mem>>) {add = true}
      %dma_wait3A = arith.constant 384 : i32
      %dma_wait3A_27 = arith.constant 0 : i32
      %dma_wait3A_28 = tpu.memref_slice %arg10[%dma_wait3A, %dma_wait3A_27] : memref<512x128xf32, #tpu.memory_space<vmem>> -> memref<128x128xf32, #tpu.memory_space<vmem>>
      %dma_wait3A_29 = arith.constant 0 : i32
      %dma_wait3A_30 = tpu.memref_slice %arg9[%run_scoped3A_12, %dma_wait3A_29] : memref<4x128xi32, #tpu.memory_space<vmem>> -> memref<1x128xi32, #tpu.memory_space<vmem>>
      %dma_wait3A_31 = tpu.memref_squeeze %dma_wait3A_30 : memref<1x128xi32, #tpu.memory_space<vmem>> -> memref<128xi32, #tpu.memory_space<vmem>>
      %dma_wait3A_32 = arith.constant 0 : i32
      %dma_wait3A_33 = arith.constant 0 : i32
      %dma_wait3A_34 = tpu.memref_slice %arg12[%dma_wait3A_32, %dma_wait3A_33] : memref<1024x128xf32, #tpu.memory_space<vmem_shared>> -> memref<1024x128xf32, #tpu.memory_space<vmem_shared>>
      tpu.wait_indirect_dma semaphore(%run_scoped3A_18 : memref<!tpu.dma_semaphore, #tpu.memory_space<semaphore_mem>>) src(%dma_wait3A_28 : memref<128x128xf32, #tpu.memory_space<vmem>>) dst(%dma_wait3A_34 : memref<1024x128xf32, #tpu.memory_space<vmem_shared>>)
      tpu.yield
    }) : () -> ()
    %run_scoped3A_13 = arith.constant 3 : i32
    "tpu.region"() ({
      %run_scoped3A_18 = tpu.sem_alloc : memref<!tpu.dma_semaphore, #tpu.memory_space<semaphore_mem>>
      %dma_start3A = arith.constant 0 : i32
      %dma_start3A_19 = tpu.memref_slice %arg9[%run_scoped3A_13, %dma_start3A] : memref<4x128xi32, #tpu.memory_space<vmem>> -> memref<1x128xi32, #tpu.memory_space<vmem>>
      %dma_start3A_20 = tpu.memref_squeeze %dma_start3A_19 : memref<1x128xi32, #tpu.memory_space<vmem>> -> memref<128xi32, #tpu.memory_space<vmem>>
      %dma_start3A_21 = arith.constant 0 : i32
      %dma_start3A_22 = arith.constant 0 : i32
      %dma_start3A_23 = tpu.memref_slice %arg13[%dma_start3A_21, %dma_start3A_22] : memref<1024x16xf32, #tpu.memory_space<vmem_shared>> -> memref<1024x16xf32, #tpu.memory_space<vmem_shared>>
      tpu.enqueue_indirect_dma source(%arg11 : memref<128x16xf32, #tpu.memory_space<vmem>>) target(%dma_start3A_23 : memref<1024x16xf32, #tpu.memory_space<vmem_shared>>) offsets(%dma_start3A_20 : memref<128xi32, #tpu.memory_space<vmem>>) semaphore(%run_scoped3A_18 : memref<!tpu.dma_semaphore, #tpu.memory_space<semaphore_mem>>) {add = true}
      %dma_wait3A = arith.constant 0 : i32
      %dma_wait3A_24 = tpu.memref_slice %arg9[%run_scoped3A_13, %dma_wait3A] : memref<4x128xi32, #tpu.memory_space<vmem>> -> memref<1x128xi32, #tpu.memory_space<vmem>>
      %dma_wait3A_25 = tpu.memref_squeeze %dma_wait3A_24 : memref<1x128xi32, #tpu.memory_space<vmem>> -> memref<128xi32, #tpu.memory_space<vmem>>
      %dma_wait3A_26 = arith.constant 0 : i32
      %dma_wait3A_27 = arith.constant 0 : i32
      %dma_wait3A_28 = tpu.memref_slice %arg13[%dma_wait3A_26, %dma_wait3A_27] : memref<1024x16xf32, #tpu.memory_space<vmem_shared>> -> memref<1024x16xf32, #tpu.memory_space<vmem_shared>>
      tpu.wait_indirect_dma semaphore(%run_scoped3A_18 : memref<!tpu.dma_semaphore, #tpu.memory_space<semaphore_mem>>) src(%arg11 : memref<128x16xf32, #tpu.memory_space<vmem>>) dst(%dma_wait3A_28 : memref<1024x16xf32, #tpu.memory_space<vmem_shared>>)
      tpu.yield
    }) : () -> ()
    %barrier3A_14 = arith.constant 0 : index
    tpu.barrier barrier_id(%barrier3A_14)
    %mul3A_15 = arith.constant 1024 : i32
    %mul3A_16 = arith.muli %arg0, %mul3A_15 : i32
    %add3A_17 = arith.addi %mul3A_16, %mul3A_2 : i32
    "tpu.region"() ({
      %run_scoped3A_18 = tpu.sem_alloc : memref<!tpu.dma_semaphore, #tpu.memory_space<semaphore_mem>>
      %dma_start3A = arith.constant 0 : i32
      %dma_start3A_19 = tpu.memref_slice %arg7[%add3A_17, %dma_start3A] : memref<2048x128xf32, #tpu.memory_space<hbm>> -> memref<64x128xf32, #tpu.memory_space<hbm>>
      %dma_start3A_20 = arith.constant 0 : i32
      %dma_start3A_21 = tpu.memref_slice %arg12[%mul3A_2, %dma_start3A_20] : memref<1024x128xf32, #tpu.memory_space<vmem_shared>> -> memref<64x128xf32, #tpu.memory_space<vmem_shared>>
      tpu.enqueue_dma source(%dma_start3A_21 : memref<64x128xf32, #tpu.memory_space<vmem_shared>>) target(%dma_start3A_19 : memref<64x128xf32, #tpu.memory_space<hbm>>) target_semaphore(%run_scoped3A_18 : memref<!tpu.dma_semaphore, #tpu.memory_space<semaphore_mem>>)
      %dma_wait3A = arith.constant 0 : i32
      %dma_wait3A_22 = tpu.memref_slice %arg7[%add3A_17, %dma_wait3A] : memref<2048x128xf32, #tpu.memory_space<hbm>> -> memref<64x128xf32, #tpu.memory_space<hbm>>
      %dma_wait3A_23 = arith.constant 0 : i32
      %dma_wait3A_24 = tpu.memref_slice %arg12[%mul3A_2, %dma_wait3A_23] : memref<1024x128xf32, #tpu.memory_space<vmem_shared>> -> memref<64x128xf32, #tpu.memory_space<vmem_shared>>
      tpu.wait_dma2 semaphore(%run_scoped3A_18 : memref<!tpu.dma_semaphore, #tpu.memory_space<semaphore_mem>>) src(%dma_wait3A_24 : memref<64x128xf32, #tpu.memory_space<vmem_shared>>) dst(%dma_wait3A_22 : memref<64x128xf32, #tpu.memory_space<hbm>>)
      tpu.yield
    }) : () -> ()
    "tpu.region"() ({
      %run_scoped3A_18 = tpu.sem_alloc : memref<!tpu.dma_semaphore, #tpu.memory_space<semaphore_mem>>
      %dma_start3A = arith.constant 0 : i32
      %dma_start3A_19 = tpu.memref_slice %arg8[%add3A_17, %dma_start3A] : memref<2048x16xf32, #tpu.memory_space<hbm>> -> memref<64x16xf32, #tpu.memory_space<hbm>>
      %dma_start3A_20 = arith.constant 0 : i32
      %dma_start3A_21 = tpu.memref_slice %arg13[%mul3A_2, %dma_start3A_20] : memref<1024x16xf32, #tpu.memory_space<vmem_shared>> -> memref<64x16xf32, #tpu.memory_space<vmem_shared>>
      tpu.enqueue_dma source(%dma_start3A_21 : memref<64x16xf32, #tpu.memory_space<vmem_shared>>) target(%dma_start3A_19 : memref<64x16xf32, #tpu.memory_space<hbm>>) target_semaphore(%run_scoped3A_18 : memref<!tpu.dma_semaphore, #tpu.memory_space<semaphore_mem>>)
      %dma_wait3A = arith.constant 0 : i32
      %dma_wait3A_22 = tpu.memref_slice %arg8[%add3A_17, %dma_wait3A] : memref<2048x16xf32, #tpu.memory_space<hbm>> -> memref<64x16xf32, #tpu.memory_space<hbm>>
      %dma_wait3A_23 = arith.constant 0 : i32
      %dma_wait3A_24 = tpu.memref_slice %arg13[%mul3A_2, %dma_wait3A_23] : memref<1024x16xf32, #tpu.memory_space<vmem_shared>> -> memref<64x16xf32, #tpu.memory_space<vmem_shared>>
      tpu.wait_dma2 semaphore(%run_scoped3A_18 : memref<!tpu.dma_semaphore, #tpu.memory_space<semaphore_mem>>) src(%dma_wait3A_24 : memref<64x16xf32, #tpu.memory_space<vmem_shared>>) dst(%dma_wait3A_22 : memref<64x16xf32, #tpu.memory_space<hbm>>)
      tpu.yield
    }) : () -> ()
    return
  }
}

module attributes {stable_mosaic.version = 14 : i64} {
  func.func @_norm_body(%arg0: i32, %arg1: memref<1024x128xf32, #tpu.memory_space<vmem>>, %arg2: memref<1024x128xf32, #tpu.memory_space<vmem>>) attributes {dimension_semantics = [#tpu.dimension_semantics<arbitrary>], iteration_bounds = array<i64: 16>, scalar_prefetch = 0 : i64, scratch_operands = 0 : i64, tpu.core_type = #tpu.core_type<tc>, window_params = [{transform_indices = @transform_0, window_bounds = array<i64: 1024, 128>}, {transform_indices = @transform_1, window_bounds = array<i64: 1024, 128>}]} {
    %get3A = arith.constant 0 : index
    %get3A_0 = arith.constant 0 : index
    %get3A_1 = vector.load %arg1[%get3A, %get3A_0] : memref<1024x128xf32, #tpu.memory_space<vmem>>, vector<1024x128xf32>
    %mul3A = arith.mulf %get3A_1, %get3A_1 : vector<1024x128xf32>
    %reduce_sum3A = arith.constant dense<0.000000e+00> : vector<1024xf32>
    %reduce_sum3A_2 = vector.multi_reduction <add>, %mul3A, %reduce_sum3A [1] : vector<1024x128xf32> to vector<1024xf32>
    %broadcast_in_dim3A = vector.shape_cast %reduce_sum3A_2 : vector<1024xf32> to vector<1024x1xf32>
    %sqrt3A = math.sqrt %broadcast_in_dim3A : vector<1024x1xf32>
    %max3A = arith.constant 9.99999996E-13 : f32
    %max3A_3 = vector.broadcast %max3A : f32 to vector<1024x1xf32>
    %max3A_4 = arith.maximumf %sqrt3A, %max3A_3 : vector<1024x1xf32>
    %div3A = vector.broadcast %max3A_4 : vector<1024x1xf32> to vector<1024x128xf32>
    %div3A_5 = arith.divf %get3A_1, %div3A : vector<1024x128xf32>
    %swap3A = arith.constant 0 : index
    %swap3A_6 = arith.constant 0 : index
    %swap3A_7 = vector.load %arg2[%swap3A, %swap3A_6] : memref<1024x128xf32, #tpu.memory_space<vmem>>, vector<1024x128xf32>
    tpu.vector_store %arg2[%swap3A, %swap3A_6], %div3A_5 {strides = array<i32>} : memref<1024x128xf32, #tpu.memory_space<vmem>>, vector<1024x128xf32>,
    return
  }
  func.func @transform_0(%arg0: i32) -> (i32, i32) {
    %c0_i32 = arith.constant 0 : i32
    %c0_i32_0 = arith.constant 0 : i32
    return %arg0, %c0_i32 : i32, i32
  }
  func.func @transform_1(%arg0: i32) -> (i32, i32) {
    %c0_i32 = arith.constant 0 : i32
    %c0_i32_0 = arith.constant 0 : i32
    return %arg0, %c0_i32 : i32, i32
  }
}

module attributes {stable_mosaic.version = 14 : i64} {
  func.func @_logits_body(%arg0: i32, %arg1: memref<1024x128xf32, #tpu.memory_space<vmem>>, %arg2: memref<2x1024x128xf32, #tpu.memory_space<vmem>>, %arg3: memref<2x1024x16xf32, #tpu.memory_space<vmem>>, %arg4: memref<1024x128xf32, #tpu.memory_space<vmem>>, %arg5: memref<1024x1000xf32, #tpu.memory_space<vmem>>, %arg6: memref<1024x128xbf16, #tpu.memory_space<vmem>>, %arg7: memref<1x1024xf32, #tpu.memory_space<vmem>>) attributes {dimension_semantics = [#tpu.dimension_semantics<arbitrary>], iteration_bounds = array<i64: 16>, scalar_prefetch = 0 : i64, scratch_operands = 2 : i64, tpu.core_type = #tpu.core_type<tc>, window_params = [{transform_indices = @transform_0, window_bounds = array<i64: 1024, 128>}, {pipeline_mode = #tpu.pipeline_mode<synchronous>, transform_indices = @transform_1, window_bounds = array<i64: 2, 1024, 128>}, {pipeline_mode = #tpu.pipeline_mode<synchronous>, transform_indices = @transform_2, window_bounds = array<i64: 2, 1024, 16>}, {pipeline_mode = #tpu.pipeline_mode<synchronous>, transform_indices = @transform_3, window_bounds = array<i64: 1024, 128>}, {transform_indices = @transform_4, window_bounds = array<i64: 1024, 1000>}]} {
    %eq3A = arith.constant 0 : i32
    %eq3A_0 = arith.cmpi eq, %arg0, %eq3A : i32
    %convert_element_type3A = arith.extui %eq3A_0 : i1 to i32
    %cond3A = arith.constant 0 : i32
    %cond3A_1 = arith.cmpi ne, %convert_element_type3A, %cond3A : i32
    scf.if %cond3A_1 {
      %get3A_24 = arith.constant 0 : index
      %get3A_25 = arith.constant 0 : index
      %get3A_26 = arith.constant 0 : index
      %get3A_27 = vector.load %arg2[%get3A_24, %get3A_25, %get3A_26] : memref<2x1024x128xf32, #tpu.memory_space<vmem>>, vector<1x1024x128xf32>
      %get3A_28 = vector.shape_cast %get3A_27 : vector<1x1024x128xf32> to vector<1024x128xf32>
      %get3A_29 = arith.constant 1 : index
      %get3A_30 = arith.constant 0 : index
      %get3A_31 = arith.constant 0 : index
      %get3A_32 = vector.load %arg2[%get3A_29, %get3A_30, %get3A_31] : memref<2x1024x128xf32, #tpu.memory_space<vmem>>, vector<1x1024x128xf32>
      %get3A_33 = vector.shape_cast %get3A_32 : vector<1x1024x128xf32> to vector<1024x128xf32>
      %add3A_34 = arith.addf %get3A_28, %get3A_33 : vector<1024x128xf32>
      %get3A_35 = arith.constant 0 : index
      %get3A_36 = arith.constant 0 : index
      %get3A_37 = arith.constant 0 : index
      %get3A_38 = vector.load %arg3[%get3A_35, %get3A_36, %get3A_37] : memref<2x1024x16xf32, #tpu.memory_space<vmem>>, vector<1x1024x1xf32>
      %get3A_39 = vector.shape_cast %get3A_38 : vector<1x1024x1xf32> to vector<1024x1xf32>
      %get3A_40 = arith.constant 1 : index
      %get3A_41 = arith.constant 0 : index
      %get3A_42 = arith.constant 0 : index
      %get3A_43 = vector.load %arg3[%get3A_40, %get3A_41, %get3A_42] : memref<2x1024x16xf32, #tpu.memory_space<vmem>>, vector<1x1024x1xf32>
      %get3A_44 = vector.shape_cast %get3A_43 : vector<1x1024x1xf32> to vector<1024x1xf32>
      %add3A_45 = arith.addf %get3A_39, %get3A_44 : vector<1024x1xf32>
      %get3A_46 = arith.constant 0 : index
      %get3A_47 = arith.constant 0 : index
      %get3A_48 = vector.load %arg4[%get3A_46, %get3A_47] : memref<1024x128xf32, #tpu.memory_space<vmem>>, vector<1024x128xf32>
      %mul3A_49 = arith.mulf %get3A_48, %get3A_48 : vector<1024x128xf32>
      %reduce_sum3A_50 = arith.constant dense<0.000000e+00> : vector<1024xf32>
      %reduce_sum3A_51 = vector.multi_reduction <add>, %mul3A_49, %reduce_sum3A_50 [1] : vector<1024x128xf32> to vector<1024xf32>
      %broadcast_in_dim3A_52 = vector.shape_cast %reduce_sum3A_51 : vector<1024xf32> to vector<1024x1xf32>
      %sqrt3A_53 = math.sqrt %broadcast_in_dim3A_52 : vector<1024x1xf32>
      %max3A_54 = arith.constant 9.99999996E-13 : f32
      %max3A_55 = vector.broadcast %max3A_54 : f32 to vector<1024x1xf32>
      %max3A_56 = arith.maximumf %sqrt3A_53, %max3A_55 : vector<1024x1xf32>
      %div3A = vector.broadcast %max3A_56 : vector<1024x1xf32> to vector<1024x128xf32>
      %div3A_57 = arith.divf %get3A_48, %div3A : vector<1024x128xf32>
      %max3A_58 = arith.constant 1.000000e+00 : f32
      %max3A_59 = vector.broadcast %max3A_58 : f32 to vector<1024x1xf32>
      %max3A_60 = arith.maximumf %add3A_45, %max3A_59 : vector<1024x1xf32>
      %div3A_61 = vector.broadcast %max3A_60 : vector<1024x1xf32> to vector<1024x128xf32>
      %div3A_62 = arith.divf %add3A_34, %div3A_61 : vector<1024x128xf32>
      %mul3A_63 = arith.mulf %div3A_62, %div3A_62 : vector<1024x128xf32>
      %reduce_sum3A_64 = arith.constant dense<0.000000e+00> : vector<1024xf32>
      %reduce_sum3A_65 = vector.multi_reduction <add>, %mul3A_63, %reduce_sum3A_64 [1] : vector<1024x128xf32> to vector<1024xf32>
      %broadcast_in_dim3A_66 = vector.shape_cast %reduce_sum3A_65 : vector<1024xf32> to vector<1024x1xf32>
      %sqrt3A_67 = math.sqrt %broadcast_in_dim3A_66 : vector<1024x1xf32>
      %max3A_68 = arith.constant 9.99999996E-13 : f32
      %max3A_69 = vector.broadcast %max3A_68 : f32 to vector<1024x1xf32>
      %max3A_70 = arith.maximumf %sqrt3A_67, %max3A_69 : vector<1024x1xf32>
      %div3A_71 = vector.broadcast %max3A_70 : vector<1024x1xf32> to vector<1024x128xf32>
      %div3A_72 = arith.divf %div3A_62, %div3A_71 : vector<1024x128xf32>
      %mul3A_73 = arith.constant 9.900000e-01 : f32
      %mul3A_74 = vector.broadcast %mul3A_73 : f32 to vector<1024x128xf32>
      %mul3A_75 = arith.mulf %mul3A_74, %div3A_57 : vector<1024x128xf32>
      %mul3A_76 = arith.constant 0.00999999977 : f32
      %mul3A_77 = vector.broadcast %mul3A_76 : f32 to vector<1024x128xf32>
      %mul3A_78 = arith.mulf %mul3A_77, %div3A_72 : vector<1024x128xf32>
      %add3A_79 = arith.addf %mul3A_75, %mul3A_78 : vector<1024x128xf32>
      %mul3A_80 = arith.mulf %add3A_79, %add3A_79 : vector<1024x128xf32>
      %reduce_sum3A_81 = arith.constant dense<0.000000e+00> : vector<1024xf32>
      %reduce_sum3A_82 = vector.multi_reduction <add>, %mul3A_80, %reduce_sum3A_81 [1] : vector<1024x128xf32> to vector<1024xf32>
      %broadcast_in_dim3A_83 = vector.shape_cast %reduce_sum3A_82 : vector<1024xf32> to vector<1024x1xf32>
      %sqrt3A_84 = math.sqrt %broadcast_in_dim3A_83 : vector<1024x1xf32>
      %max3A_85 = arith.constant 9.99999996E-13 : f32
      %max3A_86 = vector.broadcast %max3A_85 : f32 to vector<1024x1xf32>
      %max3A_87 = arith.maximumf %sqrt3A_84, %max3A_86 : vector<1024x1xf32>
      %div3A_88 = vector.broadcast %max3A_87 : vector<1024x1xf32> to vector<1024x128xf32>
      %div3A_89 = arith.divf %add3A_79, %div3A_88 : vector<1024x128xf32>
      %gt3A = arith.constant 0.000000e+00 : f32
      %gt3A_90 = vector.broadcast %gt3A : f32 to vector<1024x1xf32>
      %gt3A_91 = arith.cmpf ogt, %add3A_45, %gt3A_90 : vector<1024x1xf32>
      %broadcast_in_dim3A_92 = vector.shape_cast %gt3A_91 : vector<1024x1xi1> to vector<1024x1xi1>
      %broadcast_in_dim3A_93 = vector.broadcast %broadcast_in_dim3A_92 : vector<1024x1xi1> to vector<1024x128xi1>
      %select_n3A = arith.select %broadcast_in_dim3A_93, %div3A_89, %div3A_57 : vector<1024x128xi1>, vector<1024x128xf32>
      %mul3A_94 = arith.mulf %select_n3A, %select_n3A : vector<1024x128xf32>
      %reduce_sum3A_95 = arith.constant dense<0.000000e+00> : vector<1024xf32>
      %reduce_sum3A_96 = vector.multi_reduction <add>, %mul3A_94, %reduce_sum3A_95 [1] : vector<1024x128xf32> to vector<1024xf32>
      %broadcast_in_dim3A_97 = vector.shape_cast %reduce_sum3A_96 : vector<1024xf32> to vector<1024x1xf32>
      %sqrt3A_98 = math.sqrt %broadcast_in_dim3A_97 : vector<1024x1xf32>
      %max3A_99 = arith.constant 9.99999996E-13 : f32
      %max3A_100 = vector.broadcast %max3A_99 : f32 to vector<1024x1xf32>
      %max3A_101 = arith.maximumf %sqrt3A_98, %max3A_100 : vector<1024x1xf32>
      %div3A_102 = vector.broadcast %max3A_101 : vector<1024x1xf32> to vector<1024x128xf32>
      %div3A_103 = arith.divf %select_n3A, %div3A_102 : vector<1024x128xf32>
      %broadcast_in_dim3A_104 = arith.constant 1.000000e+00 : f32
      %broadcast_in_dim3A_105 = vector.broadcast %broadcast_in_dim3A_104 : f32 to vector<1x128xf32>
      %mul3A_106 = arith.mulf %div3A_103, %div3A_103 : vector<1024x128xf32>
      %dot_general3A_107 = arith.constant dense<0.000000e+00> : vector<1x1024xf32>
      %dot_general3A_108 = tpu.matmul %broadcast_in_dim3A_105, %mul3A_106, %dot_general3A_107 {dimension_numbers = #tpu.dot_dimension_numbers<[1], [1], [0], [0], [0, 0, 1, 0], [], []>, transpose_lhs_hint = false} : vector<1x128xf32>, vector<1024x128xf32>, vector<1x1024xf32> -> vector<1x1024xf32>
      %swap3A_109 = arith.constant 0 : index
      %swap3A_110 = arith.constant 0 : index
      %swap3A_111 = vector.load %arg7[%swap3A_109, %swap3A_110] : memref<1x1024xf32, #tpu.memory_space<vmem>>, vector<1x1024xf32>
      tpu.vector_store %arg7[%swap3A_109, %swap3A_110], %dot_general3A_108 {strides = array<i32>} : memref<1x1024xf32, #tpu.memory_space<vmem>>, vector<1x1024xf32>,
      %convert_element_type3A_112 = arith.truncf %div3A_103 : vector<1024x128xf32> to vector<1024x128xbf16>
      %swap3A_113 = arith.constant 0 : index
      %swap3A_114 = arith.constant 0 : index
      %swap3A_115 = vector.load %arg6[%swap3A_113, %swap3A_114] : memref<1024x128xbf16, #tpu.memory_space<vmem>>, vector<1024x128xbf16>
      tpu.vector_store %arg6[%swap3A_113, %swap3A_114], %convert_element_type3A_112 {strides = array<i32>} : memref<1024x128xbf16, #tpu.memory_space<vmem>>, vector<1024x128xbf16>,
    } else {
    }
    %get3A = arith.constant 0 : index
    %get3A_2 = arith.constant 0 : index
    %get3A_3 = vector.load %arg1[%get3A, %get3A_2] : memref<1024x128xf32, #tpu.memory_space<vmem>>, vector<1024x128xf32>
    %mul3A = arith.mulf %get3A_3, %get3A_3 : vector<1024x128xf32>
    %reduce_sum3A = arith.constant dense<0.000000e+00> : vector<1024xf32>
    %reduce_sum3A_4 = vector.multi_reduction <add>, %mul3A, %reduce_sum3A [1] : vector<1024x128xf32> to vector<1024xf32>
    %broadcast_in_dim3A = vector.shape_cast %reduce_sum3A_4 : vector<1024xf32> to vector<1024x1xf32>
    %convert_element_type3A_5 = arith.truncf %get3A_3 : vector<1024x128xf32> to vector<1024x128xbf16>
    %get3A_6 = arith.constant 0 : index
    %get3A_7 = arith.constant 0 : index
    %get3A_8 = vector.load %arg6[%get3A_6, %get3A_7] : memref<1024x128xbf16, #tpu.memory_space<vmem>>, vector<1024x128xbf16>
    %dot_general3A = arith.constant dense<0.000000e+00> : vector<1024x1024xf32>
    %dot_general3A_9 = tpu.matmul %convert_element_type3A_5, %get3A_8, %dot_general3A {dimension_numbers = #tpu.dot_dimension_numbers<[1], [1], [0], [0], [0, 0, 1, 0], [], []>, transpose_lhs_hint = false} : vector<1024x128xbf16>, vector<1024x128xbf16>, vector<1024x1024xf32> -> vector<1024x1024xf32>
    %get3A_10 = arith.constant 0 : index
    %get3A_11 = arith.constant 0 : index
    %get3A_12 = vector.load %arg7[%get3A_10, %get3A_11] : memref<1x1024xf32, #tpu.memory_space<vmem>>, vector<1x1024xf32>
    %add3A = vector.broadcast %broadcast_in_dim3A : vector<1024x1xf32> to vector<1024x1024xf32>
    %add3A_13 = vector.broadcast %get3A_12 : vector<1x1024xf32> to vector<1024x1024xf32>
    %add3A_14 = arith.addf %add3A, %add3A_13 : vector<1024x1024xf32>
    %mul3A_15 = arith.constant 2.000000e+00 : f32
    %mul3A_16 = vector.broadcast %mul3A_15 : f32 to vector<1024x1024xf32>
    %mul3A_17 = arith.mulf %mul3A_16, %dot_general3A_9 : vector<1024x1024xf32>
    %sub3A = arith.subf %add3A_14, %mul3A_17 : vector<1024x1024xf32>
    %slice3A = vector.extract_strided_slice %sub3A {offsets = [0, 0], sizes = [1024, 1000], strides = [1, 1]} : vector<1024x1024xf32> to vector<1024x1000xf32>
    %max3A = arith.constant 0.000000e+00 : f32
    %max3A_18 = vector.broadcast %max3A : f32 to vector<1024x1000xf32>
    %max3A_19 = arith.maximumf %slice3A, %max3A_18 : vector<1024x1000xf32>
    %sqrt3A = math.sqrt %max3A_19 : vector<1024x1000xf32>
    %neg3A = arith.constant 0.000000e+00 : f32
    %neg3A_20 = vector.broadcast %neg3A : f32 to vector<1024x1000xf32>
    %neg3A_21 = arith.subf %neg3A_20, %sqrt3A : vector<1024x1000xf32>
    %swap3A = arith.constant 0 : index
    %swap3A_22 = arith.constant 0 : index
    %swap3A_23 = vector.load %arg5[%swap3A, %swap3A_22] : memref<1024x1000xf32, #tpu.memory_space<vmem>>, vector<1024x1000xf32>
    tpu.vector_store %arg5[%swap3A, %swap3A_22], %neg3A_21 {strides = array<i32>} : memref<1024x1000xf32, #tpu.memory_space<vmem>>, vector<1024x1000xf32>,
    return
  }
  func.func @transform_0(%arg0: i32) -> (i32, i32) {
    %c0_i32 = arith.constant 0 : i32
    %c0_i32_0 = arith.constant 0 : i32
    return %arg0, %c0_i32 : i32, i32
  }
  func.func @transform_1(%arg0: i32) -> (i32, i32, i32) {
    %c0_i32 = arith.constant 0 : i32
    %c0_i32_0 = arith.constant 0 : i32
    %c0_i32_1 = arith.constant 0 : i32
    %c0_i32_2 = arith.constant 0 : i32
    return %c0_i32, %c0_i32_0, %c0_i32_1 : i32, i32, i32
  }
  func.func @transform_2(%arg0: i32) -> (i32, i32, i32) {
    %c0_i32 = arith.constant 0 : i32
    %c0_i32_0 = arith.constant 0 : i32
    %c0_i32_1 = arith.constant 0 : i32
    %c0_i32_2 = arith.constant 0 : i32
    return %c0_i32, %c0_i32_0, %c0_i32_1 : i32, i32, i32
  }
  func.func @transform_3(%arg0: i32) -> (i32, i32) {
    %c0_i32 = arith.constant 0 : i32
    %c0_i32_0 = arith.constant 0 : i32
    %c0_i32_1 = arith.constant 0 : i32
    return %c0_i32, %c0_i32_0 : i32, i32
  }
  func.func @transform_4(%arg0: i32) -> (i32, i32) {
    %c0_i32 = arith.constant 0 : i32
    %c0_i32_0 = arith.constant 0 : i32
    return %arg0, %c0_i32 : i32, i32
  }
}

</mosaic_0001>

<sc_bundles>
// kernel: kernel.5.cloned.1.call-start
scs
__scs_entry_jumppad:
0x0: {  	(pc) =	sbr.rel $0x88, $3  }
0x1: {  	(tag) =	ssettag $0x0;
	lr =	simm.s32 $0x1  }
0x2: {  	[smem:$0x3F9E] =	sst lr;
	_ =	strace $0xD0000000  }
0x3: {  	_ = 	snop  }
0x4: {  	_ = 	snop  }
0x5: {  	_ = 	snop  }
0x6: {  	_ = 	snop  }
0x7: {  	_ = 	snop  }
__scs_overlays_trampoline_lowered:
0x8: {  	[smem:$0x3FAD] =	sst s0  }
0x9: {  	[smem:$0x3FAE] =	sst s1  }
0xa: {  	[smem:$0x3FAF] =	sst s2  }
0xb: {  	[smem:$0x3FB0] =	sst s3  }
0xc: {  	[smem:$0x3FB1] =	sst s4  }
0xd: {  	[smem:$0x3FB2] =	sst s5  }
0xe: {  	[smem:$0x3FB3] =	sst s6  }
0xf: {  	[smem:$0x3FB4] =	sst s7  }
0x10: {  	[smem:$0x3FB5] =	sst s8  }
0x11: {  	[smem:$0x3FB6] =	sst s9;
	s0 =	simm.s32 @!p0 $0x0  }
0x12: {  	s1 =	sld [smem:$0x3F9C];
	s0 =	simm.s32 @p0 $0x1  }
0x13: {  	[smem:$0x3FB7] =	sst s0;
	s0 =	simm.s32 @!p1 $0x0  }
0x14: {  	s2 =	sld [smem:$0x3F9B];
	s0 =	simm.s32 @p1 $0x1  }
0x15: {  	[smem:$0x3FB8] =	sst s0;
	s0 =	simm.s32 @!p2 $0x0  }
0x16: {  	s3 =	sld [smem:$0x3FDB];
	s0 =	simm.s32 @p2 $0x1  }
0x17: {  	s4 =	simm.s32 $0x1BF5;
	[smem:$0x3FBA] =	sst s0  }
0x18: {  	s0 =	sld [smem:$0x3F9D];
	_ =	swait.ge [sflag:s4], $0x0  }
0x19: {  	s7 =	sld [smem:$0x3F9E]  }
0x1a: {  	s8 =	sadd.s32 $0xFFFFE003, lr  }
0x1b: {  	s9 =	sadd.s32 $0xFFFFFEF7, lr;
	s5 =	simm.s32 $0xFFFFFFFF;
	p2 =	slt.u32 s8, $0xFFFFF086  }
0x1c: {  	p1 =	slt.u32 s9, $0xF7A;
	s5 =	simm.s32 @!p2 $0x0  }
0x1d: {  	s5 =	simm.s32 @p1 $0x1;
	p0 =	seq.s32 s7, s2  }
0x1e: {  	s7 =	smul.u32 @!p0 $0xF7A, s2;
	p2 =	seq.s32 @!p0 s5, $0x0  }
0x1f: {  	s9 =	smul.u32 $0xF7A, s1;
	s8 =	simm.s32 @!p0 $0x1BF5;
	p2 =	por !p2, p0  }
0x20: {  	[sflag:s8] =	ssyncset.s32 @!p0 $0xFFFFF086;
	s6 =	sadd.s32 @!p0 s3, s7;
	s7 =	simm.s32 @!p0 $0x108  }
0x21: {  	s3 =	sadd.s32 s3, s9;
	s6 =	sadd.s32 @!p0 $0x88, s6;
	s7 =	simm.s32 @p2 $0x1082  }
0x22: {  	[simem:s7], [sflag:s8] =	dma.local @!p0 [hbm:s6], $0xF7A  }
0x23: {  	s9 =	sor.u32 $0xD0000000, s2;
	s6 =	simm.s32 $0x108;
	_ =	swait.ge @!p0 [sflag:s8], $0x0  }
0x24: {  	s3 =	sadd.s32 $0x88, s3;
	s6 =	simm.s32 @!p1 $0x1082;
	[sflag:s4] =	ssyncset.s32 $0xFFFFF086  }
0x25: {  	[simem:s6], [sflag:s4] =	dma.local [hbm:s3], $0xF7A  }
0x26: {  	[smem:$0x3F9E] =	sst s1;
	(tag) =	ssettag s2;
	_ =	strace s9  }
0x27: {  	s1 =	sld [smem:$0x3FAE]  }
0x28: {  	s2 =	sld [smem:$0x3FAF]  }
0x29: {  	s4 =	sld [smem:$0x3FB1]  }
0x2a: {  	p0 =	seq.s32 s5, $0x0;
	s5 =	sld [smem:$0x3FB2]  }
0x2b: {  	s6 =	sld [smem:$0x3FB3]  }
0x2c: {  	s7 =	sld [smem:$0x3FB4]  }
0x2d: {  	s3 =	simm.s32 $0x108;
	s8 =	sld [smem:$0x3FB5]  }
0x2e: {  	s3 =	simm.s32 @!p0 $0x1082;
	s9 =	sld [smem:$0x3FB6]  }
0x2f: {  	lr =	sadd.s32 s0, s3;
	s0 =	sld [smem:$0x3FAD]  }
0x30: {  	s3 =	sld [smem:$0x3FB0]  }
0x31: {  	[smem:$0x3FB9] =	sst s10  }
0x32: {  	s10 =	sld [smem:$0x3FB7];
	_ =	sdelay $0x3  }
0x33: {  	p0 =	seq.s32 s10, $0x1;
	s10 =	sld [smem:$0x3FB9];
	_ =	sdelay $0x3  }
0x34: {  	[smem:$0x3FB9] =	sst s10  }
0x35: {  	s10 =	sld [smem:$0x3FB8];
	_ =	sdelay $0x3  }
0x36: {  	p1 =	seq.s32 s10, $0x1;
	s10 =	sld [smem:$0x3FB9];
	_ =	sdelay $0x3  }
0x37: {  	[smem:$0x3FB9] =	sst s10  }
0x38: {  	s10 =	sld [smem:$0x3FBA]  }
0x39: {  	_ = 	snop;
	(pc) =	sbr.ind lr, $3  }
0x3a: {  	_ = 	snop  }
0x3b: {  	_ = 	snop  }
0x3c: {  	p2 =	seq.s32 s10, $0x1;
	s10 =	sld [smem:$0x3FB9]  }
0x3d: {  	_ =	shalt  }
0x3e: {  	_ =	shalt  }
0x3f: {  	_ =	shalt  }
0x40: {  	_ =	shalt  }
0x41: {  	_ =	shalt  }
0x42: {  	_ =	shalt  }
0x43: {  	_ =	shalt  }
0x44: {  	_ =	shalt  }
0x45: {  	_ =	shalt  }
0x46: {  	_ =	shalt  }
0x47: {  	_ =	shalt  }
0x48: {  	_ =	shalt  }
0x49: {  	_ =	shalt  }
0x4a: {  	_ =	shalt  }
0x4b: {  	_ =	shalt  }
0x4c: {  	_ =	shalt  }
0x4d: {  	_ =	shalt  }
0x4e: {  	_ =	shalt  }
0x4f: {  	_ =	shalt  }
0x50: {  	_ =	shalt  }
0x51: {  	_ =	shalt  }
0x52: {  	_ =	shalt  }
0x53: {  	_ =	shalt  }
0x54: {  	_ =	shalt  }
0x55: {  	_ =	shalt  }
0x56: {  	_ =	shalt  }
0x57: {  	_ =	shalt  }
0x58: {  	_ =	shalt  }
0x59: {  	_ =	shalt  }
0x5a: {  	_ =	shalt  }
0x5b: {  	_ =	shalt  }
0x5c: {  	_ =	shalt  }
0x5d: {  	_ =	shalt  }
0x5e: {  	_ =	shalt  }
0x5f: {  	_ =	shalt  }
0x60: {  	_ =	shalt  }
0x61: {  	_ =	shalt  }
0x62: {  	_ =	shalt  }
0x63: {  	_ =	shalt  }
0x64: {  	_ =	shalt  }
0x65: {  	_ =	shalt  }
0x66: {  	_ =	shalt  }
0x67: {  	_ =	shalt  }
0x68: {  	_ =	shalt  }
0x69: {  	_ =	shalt  }
0x6a: {  	_ =	shalt  }
0x6b: {  	_ =	shalt  }
0x6c: {  	_ =	shalt  }
0x6d: {  	_ =	shalt  }
0x6e: {  	_ =	shalt  }
0x6f: {  	_ =	shalt  }
0x70: {  	_ =	shalt  }
0x71: {  	_ =	shalt  }
0x72: {  	_ =	shalt  }
0x73: {  	_ =	shalt  }
0x74: {  	_ =	shalt  }
0x75: {  	_ =	shalt  }
0x76: {  	_ =	shalt  }
0x77: {  	_ =	shalt  }
0x78: {  	_ =	shalt  }
0x79: {  	_ =	shalt  }
0x7a: {  	_ =	shalt  }
0x7b: {  	_ =	shalt  }
0x7c: {  	_ =	shalt  }
0x7d: {  	_ =	shalt  }
0x7e: {  	_ =	shalt  }
0x7f: {  	_ =	shalt  }
0x80: {  	_ =	shalt  }
0x81: {  	_ =	shalt  }
0x82: {  	_ =	shalt  }
0x83: {  	_ =	shalt  }
0x84: {  	_ =	shalt  }
0x85: {  	_ =	shalt  }
0x86: {  	_ =	shalt  }
0x87: {  	_ =	shalt  }
.Lfunc_end0:
.L_simem_size_0:
called_computation_lowered:
.L_overlay_start_0:
0x88: {  	s2 =	sld [smem:$0x3FD9]  }
0x89: {  	s3 =	sld [smem:$0x3FFE];
	_ =	sdelay $0x1  }
0x8a: {  	s1 =	srdreg.scid  }
0x8b: {  	s0 =	sand.u32 $0x1, s1  }
0x8c: {  	s17 =	sshll.u32 s0, $0xA;
	s2 =	sadd.s32 s3, s2  }
0x8d: {  	s2 =	sadd.s32 s2, s17  }
0x8e: {  	[smem:$0x3FC5] =	sst s2  }
0x8f: {  	_ = 	snop  }
0x90: {  	s2 =	sld [smem:$0x3FC8]  }
0x91: {  	s18 =	sld [smem:$0x3FD0];
	(tm) =	ssettm $0x1  }
0x92: {  	s4 =	sld [smem:$0x3FFB];
	_ =	sdelay $0x3  }
0x93: {  	_ =	strace s4  }
0x94: {  	s4 =	sld [smem:$0x3FFC];
	_ =	sdelay $0x3  }
0x95: {  	_ =	strace s4  }
0x96: {  	s4 =	sld [smem:$0x3FFD];
	_ =	sdelay $0x3  }
0x97: {  	_ =	strace s4  }
0x98: {  	_ =	strace $0x8FFFFFFF  }
0x99: {  	s19 =	sld [smem:$0x3FDB];
	_ =	sdelay $0x1  }
0x9a: {  	s5 =	simm.s32 $_scs_section_size  }
0x9b: {  	s6 =	simm.s32 $_size__tile_overlayer_lowered;
	s7 =	simm.s32 $_tile_overlayer_lowered  }
0x9c: {  	s22 =	simm.s32 $0x1BFF;
	s21 =	sshll.u32 s7, $0x1;
	s4 =	sadd.s32 s5, s19  }
0x9d: {  	s8 =	simm.s32 $0x0;
	s20 =	sshll.u32 s6, $0x1;
	s6 =	sadd.s32 s21, s4  }
0x9e: {  	[timem:s8], [sflag:s22] =	dma.local [hbm:s6], s20  }
0x9f: {  	_ =	swait.ge [sflag:s22], s20  }
0xa0: {  	s5 =	ssub.s32 $0x0, s20;
	[sflag:s22] =	ssyncset.done $0x0  }
0xa1: {  	[sflag:s22] =	ssyncadd.s32 s5;
	_ =	sdelay $0x1  }
0xa2: {  	s23 =	simm.s32 $0x1B8B  }
0xa3: {  	_ =	swait.ge [sflag:s23], $0x1  }
0xa4: {  	[sflag:s23] =	ssyncset.done $0x0  }
0xa5: {  	s25 =	simm.s32 $0x1B8E;
	s24 =	sld [smem:$0x3FFE];
	[sflag:s23] =	ssyncadd.s32 $0xFFFFFFFF  }
0xa6: {  	s26 =	simm.s32 $execute0_lowered;
	[smem:$0x3FD2] =	sst s25  }
0xa7: {  	s6 =	sshll.u32 s26, $0x1;
	_ =	strace $0x80000046;
	[dreg:$0x1] =	wrdreg $0xFFFFFFFF  }
0xa8: {  	s28 =	simm.s32 $_size_execute0_lowered;
	s4 =	sadd.s32 s4, s6;
	[dreg:$0x0] =	wrdreg $0x0  }
0xa9: {  	s6 =	sshll.u32 s28, $0x1;
	[dreg:$0x2] =	wrdreg s4  }
0xaa: {  	[dreg:$0x3] =	wrdreg s6  }
0xab: {  	[dreg:$0x4] =	wrdreg $0xC0  }
0xac: {  	_ =	task [dreg:s8], $0x5FFFF  }
0xad: {  	[dreg:$0x1] =	wrdreg $0xFFFFFFFF  }
0xae: {  	[dreg:$0x0] =	wrdreg $0x60  }
0xaf: {  	[dreg:$0x2] =	wrdreg s18  }
0xb0: {  	[dreg:$0x3] =	wrdreg s2  }
0xb1: {  	[dreg:$0x4] =	wrdreg s24  }
0xb2: {  	[dreg:$0x5] =	wrdreg $0x142000  }
0xb3: {  	[dreg:$0x6] =	wrdreg $0x162000  }
0xb4: {  	[dreg:$0x7] =	wrdreg $0x9  }
0xb5: {  	_ =	task.clear_ibuf [dreg:s8], $0x8FFFF;
	_ =	strace $0x90000046  }
0xb6: {  	s29 =	simm.s32 $0x9;
	_ =	strace $0x80000048  }
0xb7: {  	_ =	swait.ge [sflag:s29], $0x1  }
0xb8: {  	[sflag:s29] =	ssyncadd.s32 $0xFFFFFFFF  }
0xb9: {  	_ =	strace $0x90000048  }
0xba: {  	_ =	sfence  }
0xbb: {  	s30 =	sld [smem:$0x0];
	_ =	sdelay $0x2  }
0xbc: {  	s31 =	sshll.u32 s1, $0xD;
	s1 =	sshrl.u32 s1, $0x2  }
0xbd: {  	s3 =	sand.u32 $0x4000, s31;
	s1 =	sadd.s32 s1, s30  }
0xbe: {  	s0 =	sor.u32 s3, s0;
	s1 =	sshll.u32 s1, $0x11  }
0xbf: {  	s0 =	sor.u32 s1, s0  }
0xc0: {  	s0 =	sadd.s32 $0x8F2B, s0  }
0xc1: {  	[sflag:s0] =	ssyncadd.remote.s32 $0x1  }
0xc2: {  	_ =	sfence.sel $0xFFFF  }
0xc3: {  	[dreg:$0x0] =	wrdreg $0xFFFFFFFF;
	(pc) =	sbr.abs _section_cstart, $3  }
0xc4: {  	[dreg:$0x1] =	wrdreg $0xFFFFFFFF  }
0xc5: {  	_ =	task.clear_ibuf [dreg:s8], $0x2FFFF;
	_ =	strace $0x9FFFFFFF  }
0xc6: {  	(tm) =	ssettm $0x7FFFFFFF  }
0xc7: {  	_ =	shalt  }
tec
execute0_lowered:
.L_overlay_start_1:
0x0: {  	(tag) =	ssettag $0x1  }
0x1: {  	s11 =	rddreg [dreg:$0x0]  }
0x2: {  	s13 =	rddreg [dreg:$0x1]  }
0x3: {  	s22 =	rddreg [dreg:$0x2]  }
0x4: {  	s2 =	rddreg [dreg:$0x3]  }
0x5: {  	s3 =	rddreg [dreg:$0x4]  }
0x6: {  	s0 =	rddreg [dreg:$0x5];
	s4 =	simm.s32 $0x0;
	s1 =	stileid.u32  }
0x7: {  	[smem:$0x7FF] =	sst s4;
	s23 =	sshll.u32 s1, $0xD;
	s5 =	sadd.s32 $0x1200, s22  }
0x8: {  	s6 =	sshll.u32 s1, $0x6;
	_ =	strace $0x80000047;
	s7 =	sadd.s32 s23, s2  }
0x9: {  	s6 =	sor.u32 $0x1C01, s6;
	s8 =	sshrl.u32 s7, $0x3;
	s7 =	simm.s32 $0x1  }
0xa: {  	[spmem:s8], [sflag:s6] =	dma.local [hbm:s5], $0x400  }
0xb: {  	s10 =	srdreg.scid;
	_ =	swait.ge [sflag:s7], $0x400  }
0xc: {  	s9 =	sadd.s32 $0x1600, s22;
	s12 =	sadd.s32 s23, s3;
	[sflag:s7] =	ssyncset.done $0x0  }
0xd: {  	s24 =	sand.u32 $0x1, s10;
	s10 =	sshrl.u32 s12, $0x3;
	[sflag:s7] =	ssyncadd.s32 $0xFFFFFC00  }
0xe: {  	[spmem:s10], [sflag:s6] =	dma.local [hbm:s9], $0x400  }
0xf: {  	s29 =	sshll.u32 s1, $0xE;
	s14 =	sshll.u32 s24, $0xD;
	_ =	swait.ge [sflag:s7], $0x400  }
0x10: {  	s12 =	sor.u32 s14, s29;
	[sflag:s7] =	ssyncset.done $0x0  }
0x11: {  	s11 =	sadd.s32 s11, s12;
	s12 =	simm.s32 $0x200;
	[sflag:s7] =	ssyncadd.s32 $0xFFFFFC00  }
0x12: {  	[tilespmem:s12], [sflag:$0x1] =	stream.linear.gather [hbm4b:s11+s4], $0x10000, $0x38;
	[tilespmem:$0x16600] =	vst v63  }
0x13: {  	s30 =	sshll.u32 s24, $0x6;
	_ =	swait.ge [sflag:s7], $0x10000  }
0x14: {  	s15 =	sshll.u32 s1, $0x7;
	s13 =	sadd.s32 s13, s30;
	[sflag:s7] =	ssyncset.done $0x0  }
0x15: {  	s13 =	sadd.s32 s15, s13;
	[sflag:s7] =	ssyncadd.s32 $0xFFFF0000  }
0x16: {  	[tilespmem:s4], [sflag:$0x1] =	stream.linear.gather [hbm4b:s13+s4], $0x200, $0x38;
	[tilespmem:$0x16600] =	vst v63  }
0x17: {  	_ =	swait.ge [sflag:s7], $0x200  }
0x18: {  	[sflag:s7] =	ssyncset.done $0x0  }
0x19: {  	s14 =	sadd.s32 $0x1A00, s22;
	s15 =	simm.s32 $0x10200;
	[sflag:s7] =	ssyncadd.s32 $0xFFFFFE00  }
0x1a: {  	[tilespmem:s15], [sflag:$0x1] =	stream.linear.gather [hbm4b:s14+s4], $0x4000, $0x38;
	[tilespmem:$0x16600] =	vst v63  }
0x1b: {  	_ =	swait.ge [sflag:s7], $0x4000  }
0x1c: {  	[sflag:s7] =	ssyncset.done $0x0  }
0x1d: {  	[sflag:s7] =	ssyncadd.s32 $0xFFFFC000  }
0x1e: {  	s16 =	simm.s32 $0x80;
	[bflag:$0x0] =	sbarrier.arrive $0xFFFF  }
0x1f: {  	[spmem:s2] =	stream.indirect.scatter.add.f32 [tilespmem:s12], [sflag:$0x1], $0x80, s4, s16, $0xb8;
	[tilespmem:$0x16600] =	vst v63  }
0x20: {  	_ =	swait.ge [sflag:s7], $0x4000  }
0x21: {  	[sflag:s7] =	ssyncset.done $0x0  }
0x22: {  	[sflag:s7] =	ssyncadd.s32 $0xFFFFC000  }
0x23: {  	[spmem:s3] =	stream.indirect.scatter.add.f32 [tilespmem:s15], [sflag:$0x1], $0x10, s4, s16, $0xb8;
	[tilespmem:$0x16600] =	vst v63  }
0x24: {  	_ =	swait.ge [sflag:s7], $0x800  }
0x25: {  	[sflag:s7] =	ssyncset.done $0x0  }
0x26: {  	s17 =	simm.s32 $0x4200;
	[sflag:s7] =	ssyncadd.s32 $0xFFFFF800  }
0x27: {  	[spmem:s2] =	stream.indirect.scatter.add.f32 [tilespmem:s17], [sflag:$0x1], $0x80, s16, s16, $0xb8;
	[tilespmem:$0x16600] =	vst v63  }
0x28: {  	_ =	swait.ge [sflag:s7], $0x4000  }
0x29: {  	[sflag:s7] =	ssyncset.done $0x0  }
0x2a: {  	[sflag:s7] =	ssyncadd.s32 $0xFFFFC000  }
0x2b: {  	[spmem:s3] =	stream.indirect.scatter.add.f32 [tilespmem:s15], [sflag:$0x1], $0x10, s16, s16, $0xb8;
	[tilespmem:$0x16600] =	vst v63  }
0x2c: {  	_ =	swait.ge [sflag:s7], $0x800  }
0x2d: {  	[sflag:s7] =	ssyncset.done $0x0  }
0x2e: {  	s18 =	simm.s32 $0x100;
	s19 =	simm.s32 $0x8200;
	[sflag:s7] =	ssyncadd.s32 $0xFFFFF800  }
0x2f: {  	[spmem:s2] =	stream.indirect.scatter.add.f32 [tilespmem:s19], [sflag:$0x1], $0x80, s18, s16, $0xb8;
	[tilespmem:$0x16600] =	vst v63  }
0x30: {  	_ =	swait.ge [sflag:s7], $0x4000  }
0x31: {  	[sflag:s7] =	ssyncset.done $0x0  }
0x32: {  	[sflag:s7] =	ssyncadd.s32 $0xFFFFC000  }
0x33: {  	[spmem:s3] =	stream.indirect.scatter.add.f32 [tilespmem:s15], [sflag:$0x1], $0x10, s18, s16, $0xb8;
	[tilespmem:$0x16600] =	vst v63  }
0x34: {  	_ =	swait.ge [sflag:s7], $0x800  }
0x35: {  	[sflag:s7] =	ssyncset.done $0x0  }
0x36: {  	s20 =	simm.s32 $0x180;
	s21 =	simm.s32 $0xC200;
	[sflag:s7] =	ssyncadd.s32 $0xFFFFF800  }
0x37: {  	[spmem:s2] =	stream.indirect.scatter.add.f32 [tilespmem:s21], [sflag:$0x1], $0x80, s20, s16, $0xb8;
	[tilespmem:$0x16600] =	vst v63  }
0x38: {  	_ =	swait.ge [sflag:s7], $0x4000  }
0x39: {  	[sflag:s7] =	ssyncset.done $0x0  }
0x3a: {  	s25 =	sshll.u32 s24, $0x11;
	[sflag:s7] =	ssyncadd.s32 $0xFFFFC000  }
0x3b: {  	[spmem:s3] =	stream.indirect.scatter.add.f32 [tilespmem:s15], [sflag:$0x1], $0x10, s20, s16, $0xb8;
	[tilespmem:$0x16600] =	vst v63  }
0x3c: {  	s24 =	ssub.s32 $0x2, s24;
	s23 =	sor.u32 s23, s25;
	_ =	swait.ge [sflag:s7], $0x800  }
0x3d: {  	s31 =	sshrl.u32 s24, $0x1;
	s23 =	sshrl.u32 s23, $0x3;
	[sflag:s7] =	ssyncset.done $0x0  }
0x3e: {  	s24 =	ssub.s32 s24, s31;
	s23 =	sadd.s32 s23, s22;
	[sflag:s7] =	ssyncadd.s32 $0xFFFFF800  }
0x3f: {  	s24 =	smax.u32 s24, $0x1;
	s22 =	sadd.s32 $0x2200, s23;
	[bflag:$0x0] =	sbarrier.arrive $0xFFFF  }
0x40: {  	[hbm:s22], [sflag:s6] =	dma.local [spmem:s8], $0x400  }
0x41: {  	p0 =	sne.s32 s24, $0x1;
	_ =	swait.ge [sflag:s7], $0x400  }
.Ltmp0:
0x42: {  	[sflag:s7] =	ssyncset.done $0x0;
	(pc) =	sbr.rel @!p0 .LBB2_2-.Ltmp0, $4  }
0x43: {  	s23 =	sadd.s32 $0xA200, s23;
	[sflag:s7] =	ssyncadd.s32 $0xFFFFFC00  }
0x44: {  	[hbm:s23], [sflag:s6] =	dma.local [spmem:s10], $0x400  }
0x45: {  	_ =	swait.ge [sflag:s7], $0x400  }
0x46: {  	s24 =	sadd.s32 $0xFFFFFFFF, s24;
	[sflag:s7] =	ssyncset.done $0x0  }
.LBB2_1:
0x47: {  	p0 =	sne.s32 s24, $0x1;
	s24 =	sadd.s32 $0xFFFFFFFF, s24;
	[sflag:s7] =	ssyncadd.s32 $0xFFFFFC00  }
0x48: {  	[spmem:s8], [sflag:s6] =	dma.local [hbm:s5], $0x400  }
0x49: {  	_ =	swait.ge [sflag:s7], $0x400  }
0x4a: {  	[sflag:s7] =	ssyncset.done $0x0  }
0x4b: {  	[sflag:s7] =	ssyncadd.s32 $0xFFFFFC00  }
0x4c: {  	[spmem:s10], [sflag:s6] =	dma.local [hbm:s9], $0x400  }
0x4d: {  	_ =	swait.ge [sflag:s7], $0x400  }
0x4e: {  	[sflag:s7] =	ssyncset.done $0x0  }
0x4f: {  	[sflag:s7] =	ssyncadd.s32 $0xFFFFFC00  }
0x50: {  	[tilespmem:s12], [sflag:$0x1] =	stream.linear.gather [hbm4b:s11+s4], $0x10000, $0x38;
	[tilespmem:$0x16600] =	vst v63  }
0x51: {  	_ =	swait.ge [sflag:s7], $0x10000  }
0x52: {  	[sflag:s7] =	ssyncset.done $0x0  }
0x53: {  	[sflag:s7] =	ssyncadd.s32 $0xFFFF0000  }
0x54: {  	[tilespmem:s4], [sflag:$0x1] =	stream.linear.gather [hbm4b:s13+s4], $0x200, $0x38;
	[tilespmem:$0x16600] =	vst v63  }
0x55: {  	_ =	swait.ge [sflag:s7], $0x200  }
0x56: {  	[sflag:s7] =	ssyncset.done $0x0  }
0x57: {  	[sflag:s7] =	ssyncadd.s32 $0xFFFFFE00  }
0x58: {  	[tilespmem:s15], [sflag:$0x1] =	stream.linear.gather [hbm4b:s14+s4], $0x4000, $0x38;
	[tilespmem:$0x16600] =	vst v63  }
0x59: {  	_ =	swait.ge [sflag:s7], $0x4000  }
0x5a: {  	[sflag:s7] =	ssyncset.done $0x0  }
0x5b: {  	[sflag:s7] =	ssyncadd.s32 $0xFFFFC000  }
0x5c: {  	[bflag:$0x0] =	sbarrier.arrive $0xFFFF  }
0x5d: {  	[spmem:s2] =	stream.indirect.scatter.add.f32 [tilespmem:s12], [sflag:$0x1], $0x80, s4, s16, $0xb8;
	[tilespmem:$0x16600] =	vst v63  }
0x5e: {  	_ =	swait.ge [sflag:s7], $0x4000  }
0x5f: {  	[sflag:s7] =	ssyncset.done $0x0  }
0x60: {  	[sflag:s7] =	ssyncadd.s32 $0xFFFFC000  }
0x61: {  	[spmem:s3] =	stream.indirect.scatter.add.f32 [tilespmem:s15], [sflag:$0x1], $0x10, s4, s16, $0xb8;
	[tilespmem:$0x16600] =	vst v63  }
0x62: {  	_ =	swait.ge [sflag:s7], $0x800  }
0x63: {  	[sflag:s7] =	ssyncset.done $0x0  }
0x64: {  	[sflag:s7] =	ssyncadd.s32 $0xFFFFF800  }
0x65: {  	[spmem:s2] =	stream.indirect.scatter.add.f32 [tilespmem:s17], [sflag:$0x1], $0x80, s16, s16, $0xb8;
	[tilespmem:$0x16600] =	vst v63  }
0x66: {  	_ =	swait.ge [sflag:s7], $0x4000  }
0x67: {  	[sflag:s7] =	ssyncset.done $0x0  }
0x68: {  	[sflag:s7] =	ssyncadd.s32 $0xFFFFC000  }
0x69: {  	[spmem:s3] =	stream.indirect.scatter.add.f32 [tilespmem:s15], [sflag:$0x1], $0x10, s16, s16, $0xb8;
	[tilespmem:$0x16600] =	vst v63  }
0x6a: {  	_ =	swait.ge [sflag:s7], $0x800  }
0x6b: {  	[sflag:s7] =	ssyncset.done $0x0  }
0x6c: {  	[sflag:s7] =	ssyncadd.s32 $0xFFFFF800  }
0x6d: {  	[spmem:s2] =	stream.indirect.scatter.add.f32 [tilespmem:s19], [sflag:$0x1], $0x80, s18, s16, $0xb8;
	[tilespmem:$0x16600] =	vst v63  }
0x6e: {  	_ =	swait.ge [sflag:s7], $0x4000  }
0x6f: {  	[sflag:s7] =	ssyncset.done $0x0  }
0x70: {  	[sflag:s7] =	ssyncadd.s32 $0xFFFFC000  }
0x71: {  	[spmem:s3] =	stream.indirect.scatter.add.f32 [tilespmem:s15], [sflag:$0x1], $0x10, s18, s16, $0xb8;
	[tilespmem:$0x16600] =	vst v63  }
0x72: {  	_ =	swait.ge [sflag:s7], $0x800  }
0x73: {  	[sflag:s7] =	ssyncset.done $0x0  }
0x74: {  	[sflag:s7] =	ssyncadd.s32 $0xFFFFF800  }
0x75: {  	[spmem:s2] =	stream.indirect.scatter.add.f32 [tilespmem:s21], [sflag:$0x1], $0x80, s20, s16, $0xb8;
	[tilespmem:$0x16600] =	vst v63  }
0x76: {  	_ =	swait.ge [sflag:s7], $0x4000  }
0x77: {  	[sflag:s7] =	ssyncset.done $0x0  }
0x78: {  	[sflag:s7] =	ssyncadd.s32 $0xFFFFC000  }
0x79: {  	[spmem:s3] =	stream.indirect.scatter.add.f32 [tilespmem:s15], [sflag:$0x1], $0x10, s20, s16, $0xb8;
	[tilespmem:$0x16600] =	vst v63  }
0x7a: {  	_ =	swait.ge [sflag:s7], $0x800  }
0x7b: {  	[sflag:s7] =	ssyncset.done $0x0  }
0x7c: {  	[sflag:s7] =	ssyncadd.s32 $0xFFFFF800  }
0x7d: {  	[bflag:$0x0] =	sbarrier.arrive $0xFFFF  }
0x7e: {  	[hbm:s22], [sflag:s6] =	dma.local [spmem:s8], $0x400  }
0x7f: {  	_ =	swait.ge [sflag:s7], $0x400  }
.Ltmp1:
0x80: {  	[sflag:s7] =	ssyncset.done $0x0;
	(pc) =	sbr.rel @p0 .LBB2_1-.Ltmp1, $4  }
0x81: {  	[sflag:s7] =	ssyncadd.s32 $0xFFFFFC00  }
0x82: {  	[hbm:s23], [sflag:s6] =	dma.local [spmem:s10], $0x400  }
0x83: {  	_ =	swait.ge [sflag:s7], $0x400  }
0x84: {  	[sflag:s7] =	ssyncset.done $0x0  }
.LBB2_2:
0x85: {  	[sflag:s7] =	ssyncadd.s32 $0xFFFFFC00  }
0x86: {  	_ =	sfence.sel $0x180000  }
0x87: {  	[bflag:$0x0] =	sbarrier.arrive $0xFFFF  }
0x88: {  	p0 =	sne.s32 s1, $0x0;
	_ =	strace $0x90000047  }
0x89: {  	s0 =	sadd.s32 @!p0 $0x100000, s0;
	[bflag:$0x2] =	sbarrier.arrive $0xFFFF  }
0x8a: {  	[sflag:s0] =	ssyncadd.tile.s32 @!p0 $0x1;
	_ =	shalt  }
.Lfunc_end2:
_tile_overlayer_lowered:
.L_overlay_start_2:
0x8b: {  	(tag) =	ssettag $0x2  }
0x8c: {  	s0 =	rddreg [dreg:$0x0];
	s2 =	stileid.u32  }
0x8d: {  	s1 =	rddreg [dreg:$0x1];
	p0 =	sne.s32 s2, $0x0  }
0x8e: {  	s3 =	rddreg [dreg:$0x2];
	[bflag:$0x3] =	sbarrier.arrive $0xFFFF;
	s2 =	simm.s32 @!p0 $0x1C01  }
0x8f: {  	[timem:s3], [sflag:s2] =	dma.local @!p0 [hbm:s0], s1  }
0x90: {  	s0 =	simm.s32 @!p0 $0x1  }
0x91: {  	_ =	swait.ge @!p0 [sflag:s0], s1  }
0x92: {  	s1 =	ssub.s32 @!p0 $0x0, s1;
	[sflag:s0] =	ssyncset.done @!p0 $0x0  }
0x93: {  	[sflag:s0] =	ssyncadd.s32 @!p0 s1  }
0x94: {  	[bflag:$0x3] =	sbarrier.arrive $0xFFFF  }
0x95: {  	_ =	shalt  }

</sc_bundles>
